<compile_context>
chip_gen: v7x
topology: tpu7x:2x2x1
jax: 0.10.2.dev20260603
libtpu: 0.0.44.dev20260713+nightly
codegen_flags: <defaults>
</compile_context>

<pallas_src>
import functools

import jax
import jax.numpy as jnp
import numpy as np
from jax import lax
from jax.experimental import pallas as pl
from jax.experimental.pallas import tpu as pltpu
from jax.experimental.pallas import tpu_sc as plsc

DIM = 4096
K = 64
L = 16
TILES = 16
RPT = K // TILES
CHUNKS = DIM // L
SUB = 4
UNROLL = 4
NEG = -3.0e38
BIG = 1 << 30


def _shuf(v, perm):
    return v.at[perm].get(mode="promise_in_bounds")


def _all_reduce(v, iota, op):
    for sh in (8, 4, 2, 1):
        v = op(v, _shuf(v, iota ^ sh))
    return v


def _sc_router(z_hbm, c_hbm, out_hbm, z_v, c_v, row_v, shared, buf_v, out_v,
               semz, sem0, sem1):
    sid = lax.axis_index("s")
    base_row = sid * RPT

    hz = pltpu.async_copy(z_hbm, z_v, semz)
    h0 = pltpu.async_copy(c_hbm.at[pl.ds(base_row, 2)],
                          c_v.at[pl.ds(0, 2)], sem0)
    h1 = pltpu.async_copy(c_hbm.at[pl.ds(base_row + 2, 2)],
                          c_v.at[pl.ds(2, 2)], sem1)

    zero = jnp.zeros((L,), jnp.float32)

    def run_phase(r0):
        def body(i, carry):
            acc = list(carry)
            for j in range(SUB):
                off = (i + j) * L
                zv = z_v[pl.ds(off, L)]
                for kk in range(2):
                    cv = c_v[r0 + kk, pl.ds(off, L)]
                    acc[SUB * kk + j] = acc[SUB * kk + j] + zv * cv
            return tuple(acc)

        acc = plsc.parallel_loop(0, CHUNKS, SUB, unroll=UNROLL,
                                 carry=(zero,) * (2 * SUB))(body)
        return (acc[0] + acc[1]) + (acc[2] + acc[3]), \
               (acc[4] + acc[5]) + (acc[6] + acc[7])

    hz.wait()
    h0.wait()
    d0, d1 = run_phase(0)
    h1.wait()
    d2, d3 = run_phase(2)
    d = (d0, d1, d2, d3)

    iota = lax.iota(jnp.int32, L)
    add = lambda a, b: a + b
    dsum = [_all_reduce(d[r], iota, add) for r in range(RPT)]
    dv = dsum[0]
    for r in range(1, RPT):
        dv = jnp.where(iota == r, dsum[r], dv)
    sims = jnp.where(iota < RPT, dv, jnp.full((L,), NEG, jnp.float32))
    row_v[...] = sims
    pltpu.sync_copy(row_v, shared.at[pl.ds(sid * L, L)])
    plsc.subcore_barrier()

    @pl.when(sid == 0)
    def _():
        pltpu.sync_copy(shared, buf_v)
        vecs = [buf_v[pl.ds(i * L, L)] for i in range(TILES)]
        m = vecs[0]
        for i in range(1, TILES):
            m = jnp.maximum(m, vecs[i])
        gm = _all_reduce(m, iota, jnp.maximum)
        best = jnp.full((L,), BIG, jnp.int32)
        for i in range(TILES):
            cand = jnp.where(vecs[i] == gm, iota + np.int32(i * RPT), BIG)
            best = jnp.minimum(best, cand)
        out_v[...] = _all_reduce(best, iota, jnp.minimum)
        pltpu.sync_copy(out_v, out_hbm)


_router = functools.partial(
    pl.kernel,
    out_type=jax.ShapeDtypeStruct((L,), jnp.int32),
    mesh=plsc.VectorSubcoreMesh(core_axis_name="c", subcore_axis_name="s",
                                num_cores=1, num_subcores=TILES),
    scratch_types=[
        pltpu.VMEM((DIM,), jnp.float32),
        pltpu.VMEM((RPT, DIM), jnp.float32),
        pltpu.VMEM((L,), jnp.float32),
        pltpu.VMEM_SHARED((TILES * L,), jnp.float32),
        pltpu.VMEM((TILES * L,), jnp.float32),
        pltpu.VMEM((L,), jnp.int32),
        pltpu.SemaphoreType.DMA,
        pltpu.SemaphoreType.DMA,
        pltpu.SemaphoreType.DMA,
    ],
)(_sc_router)


def kernel(z, centroids):
    return _router(z, centroids)[0]

# --- scband reference (transcript-rebuilt; emitter-appended) ---
"""Pipeline reference for scband-nearest-centroid-router-2602750181554 (READ-ONLY COPY).

The authoritative reference and input builder live on the scoring server;
editing this copy changes nothing except your own understanding.
"""

import jax, jax.numpy as jnp
import numpy as np

DIM = 4096
NUM_CLUSTERS = 64


def _normalize(x, axis, eps=1e-12):
    n = jnp.linalg.norm(x, axis=axis, keepdims=True)
    return x / jnp.maximum(n, eps)


def setup_inputs(seed: int = 0) -> dict:
    key = jax.random.key(seed)
    k1, k2 = jax.random.split(key)
    z = jax.random.normal(k1, (DIM,), dtype=jnp.float32)
    centroids = _normalize(jax.random.normal(k2, (NUM_CLUSTERS, DIM), dtype=jnp.float32), axis=1)
    return {"z": z, "centroids": centroids}


def reference(z, centroids):
    # F.normalize(z, dim=-1)
    z_norm = _normalize(z, axis=-1)
    # z_norm.dim() == 1 here, so no squeeze needed
    a = z_norm[None, :]  # [1, dim], broadcast against centroids [K, dim]
    # F.cosine_similarity(a, centroids, dim=1) with eps=1e-8 clamp on norms
    num = jnp.sum(a * centroids, axis=1)
    a_norm = jnp.maximum(jnp.linalg.norm(jnp.broadcast_to(a, centroids.shape), axis=1), 1e-8)
    c_norm = jnp.maximum(jnp.linalg.norm(centroids, axis=1), 1e-8)
    sims = num / (a_norm * c_norm)
    # eval path (not training): deterministic argmax routing
    return jnp.argmax(sims)

if __name__ == "__main__":
    import jax
    _d = setup_inputs()
    print(jax.jit(kernel)(*tuple(_d.values())))

</pallas_src>

<mosaic_0001>
#map = affine_map<(d0, d1) -> (0)>
#map1 = affine_map<(d0, d1) -> (0, 0)>
module attributes {stable_mosaic.version = 14 : i64} {
  func.func @_sc_router(%arg0: i32, %arg1: i32, %arg2: memref<4096xf32, #tpu.memory_space<hbm>>, %arg3: memref<64x4096xf32, #tpu.memory_space<hbm>>, %arg4: memref<16xi32, #tpu.memory_space<hbm>>, %arg5: memref<4096xf32, #tpu.memory_space<vmem>>, %arg6: memref<4x4096xf32, #tpu.memory_space<vmem>>, %arg7: memref<16xf32, #tpu.memory_space<vmem>>, %arg8: memref<256xf32, #tpu.memory_space<vmem_shared>>, %arg9: memref<256xf32, #tpu.memory_space<vmem>>, %arg10: memref<16xi32, #tpu.memory_space<vmem>>, %arg11: memref<!tpu.dma_semaphore, #tpu.memory_space<semaphore_mem>>, %arg12: memref<!tpu.dma_semaphore, #tpu.memory_space<semaphore_mem>>, %arg13: memref<!tpu.dma_semaphore, #tpu.memory_space<semaphore_mem>>) attributes {dimension_semantics = [#tpu.dimension_semantics<core_parallel>, #tpu.dimension_semantics<subcore_parallel>], iteration_bounds = array<i64: 1, 16>, scalar_prefetch = 0 : i64, scratch_operands = 9 : i64, tpu.core_type = #tpu.core_type<sc_vector_subcore>, window_params = [{transform_indices = #map}, {transform_indices = #map1}, {transform_indices = #map}]} {
    %mul3A = arith.constant 4 : i32
    %mul3A_0 = arith.muli %arg1, %mul3A : i32
    tpu.enqueue_dma source(%arg2 : memref<4096xf32, #tpu.memory_space<hbm>>) target(%arg5 : memref<4096xf32, #tpu.memory_space<vmem>>) target_semaphore(%arg11 : memref<!tpu.dma_semaphore, #tpu.memory_space<semaphore_mem>>)
    %dma_start3A = arith.constant 0 : i32
    %dma_start3A_1 = arith.constant 0 : i32
    %dma_start3A_2 = tpu.memref_slice %arg6[%dma_start3A, %dma_start3A_1] : memref<4x4096xf32, #tpu.memory_space<vmem>> -> memref<2x4096xf32, #tpu.memory_space<vmem>>
    %dma_start3A_3 = arith.constant 0 : i32
    %dma_start3A_4 = tpu.memref_slice %arg3[%mul3A_0, %dma_start3A_3] : memref<64x4096xf32, #tpu.memory_space<hbm>> -> memref<2x4096xf32, #tpu.memory_space<hbm>>
    %dma_start3A_5 = arith.constant 0 : i32
    %dma_start3A_6 = arith.constant 0 : i32
    %dma_start3A_7 = tpu.memref_slice %arg6[%dma_start3A_5, %dma_start3A_6] : memref<4x4096xf32, #tpu.memory_space<vmem>> -> memref<2x4096xf32, #tpu.memory_space<vmem>>
    %dma_start3A_8 = arith.constant 0 : i32
    %dma_start3A_9 = tpu.memref_slice %arg3[%mul3A_0, %dma_start3A_8] : memref<64x4096xf32, #tpu.memory_space<hbm>> -> memref<2x4096xf32, #tpu.memory_space<hbm>>
    tpu.enqueue_dma source(%dma_start3A_9 : memref<2x4096xf32, #tpu.memory_space<hbm>>) target(%dma_start3A_7 : memref<2x4096xf32, #tpu.memory_space<vmem>>) target_semaphore(%arg12 : memref<!tpu.dma_semaphore, #tpu.memory_space<semaphore_mem>>)
    %add3A = arith.constant 2 : i32
    %add3A_10 = arith.addi %mul3A_0, %add3A : i32
    %dma_start3A_11 = arith.constant 2 : i32
    %dma_start3A_12 = arith.constant 0 : i32
    %dma_start3A_13 = tpu.memref_slice %arg6[%dma_start3A_11, %dma_start3A_12] : memref<4x4096xf32, #tpu.memory_space<vmem>> -> memref<2x4096xf32, #tpu.memory_space<vmem>>
    %dma_start3A_14 = arith.constant 0 : i32
    %dma_start3A_15 = tpu.memref_slice %arg3[%add3A_10, %dma_start3A_14] : memref<64x4096xf32, #tpu.memory_space<hbm>> -> memref<2x4096xf32, #tpu.memory_space<hbm>>
    %dma_start3A_16 = arith.constant 2 : i32
    %dma_start3A_17 = arith.constant 0 : i32
    %dma_start3A_18 = tpu.memref_slice %arg6[%dma_start3A_16, %dma_start3A_17] : memref<4x4096xf32, #tpu.memory_space<vmem>> -> memref<2x4096xf32, #tpu.memory_space<vmem>>
    %dma_start3A_19 = arith.constant 0 : i32
    %dma_start3A_20 = tpu.memref_slice %arg3[%add3A_10, %dma_start3A_19] : memref<64x4096xf32, #tpu.memory_space<hbm>> -> memref<2x4096xf32, #tpu.memory_space<hbm>>
    tpu.enqueue_dma source(%dma_start3A_20 : memref<2x4096xf32, #tpu.memory_space<hbm>>) target(%dma_start3A_18 : memref<2x4096xf32, #tpu.memory_space<vmem>>) target_semaphore(%arg13 : memref<!tpu.dma_semaphore, #tpu.memory_space<semaphore_mem>>)
    %broadcast_in_dim3A = arith.constant 0.000000e+00 : f32
    %broadcast_in_dim3A_21 = vector.broadcast %broadcast_in_dim3A : f32 to vector<16xf32>
    tpu.wait_dma2 semaphore(%arg11 : memref<!tpu.dma_semaphore, #tpu.memory_space<semaphore_mem>>) src(%arg2 : memref<4096xf32, #tpu.memory_space<hbm>>) dst(%arg5 : memref<4096xf32, #tpu.memory_space<vmem>>)
    %dma_wait3A = arith.constant 0 : i32
    %dma_wait3A_22 = arith.constant 0 : i32
    %dma_wait3A_23 = tpu.memref_slice %arg6[%dma_wait3A, %dma_wait3A_22] : memref<4x4096xf32, #tpu.memory_space<vmem>> -> memref<2x4096xf32, #tpu.memory_space<vmem>>
    %dma_wait3A_24 = arith.constant 0 : i32
    %dma_wait3A_25 = tpu.memref_slice %arg3[%mul3A_0, %dma_wait3A_24] : memref<64x4096xf32, #tpu.memory_space<hbm>> -> memref<2x4096xf32, #tpu.memory_space<hbm>>
    %dma_wait3A_26 = arith.constant 0 : i32
    %dma_wait3A_27 = arith.constant 0 : i32
    %dma_wait3A_28 = tpu.memref_slice %arg6[%dma_wait3A_26, %dma_wait3A_27] : memref<4x4096xf32, #tpu.memory_space<vmem>> -> memref<2x4096xf32, #tpu.memory_space<vmem>>
    %dma_wait3A_29 = arith.constant 0 : i32
    %dma_wait3A_30 = tpu.memref_slice %arg3[%mul3A_0, %dma_wait3A_29] : memref<64x4096xf32, #tpu.memory_space<hbm>> -> memref<2x4096xf32, #tpu.memory_space<hbm>>
    tpu.wait_dma2 semaphore(%arg12 : memref<!tpu.dma_semaphore, #tpu.memory_space<semaphore_mem>>) src(%dma_wait3A_30 : memref<2x4096xf32, #tpu.memory_space<hbm>>) dst(%dma_wait3A_28 : memref<2x4096xf32, #tpu.memory_space<vmem>>)
    %parallel_loop3A = arith.constant 0 : i32
    %parallel_loop3A_31 = arith.constant 256 : i32
    %parallel_loop3A_32 = arith.constant 4 : i32
    %parallel_loop3A_33:8 = scf.for %parallel_loop3A_305 = %parallel_loop3A to %parallel_loop3A_31 step %parallel_loop3A_32 iter_args(%parallel_loop3A_306 = %broadcast_in_dim3A_21, %parallel_loop3A_307 = %broadcast_in_dim3A_21, %parallel_loop3A_308 = %broadcast_in_dim3A_21, %parallel_loop3A_309 = %broadcast_in_dim3A_21, %parallel_loop3A_310 = %broadcast_in_dim3A_21, %parallel_loop3A_311 = %broadcast_in_dim3A_21, %parallel_loop3A_312 = %broadcast_in_dim3A_21, %parallel_loop3A_313 = %broadcast_in_dim3A_21) -> (vector<16xf32>, vector<16xf32>, vector<16xf32>, vector<16xf32>, vector<16xf32>, vector<16xf32>, vector<16xf32>, vector<16xf32>)  : i32 {
      %parallel_loop3A_314 = arith.constant 0 : i32
      %parallel_loop3A_315 = arith.addi %parallel_loop3A_305, %parallel_loop3A_314 : i32
      %parallel_loop3A_316 = arith.constant 16 : i32
      %parallel_loop3A_317 = arith.muli %parallel_loop3A_315, %parallel_loop3A_316 : i32
      %parallel_loop3A_318 = arith.index_cast %parallel_loop3A_317 : i32 to index
      %parallel_loop3A_319 = tpu.vector_load %arg5[%parallel_loop3A_318] {strides = array<i32>} : memref<4096xf32, #tpu.memory_space<vmem>>, vector<16xf32>,
      %parallel_loop3A_320 = vector.shape_cast %parallel_loop3A_319 : vector<16xf32> to vector<16xf32>
      %parallel_loop3A_321 = arith.constant 0 : i32
      %parallel_loop3A_322 = arith.index_cast %parallel_loop3A_321 : i32 to index
      %parallel_loop3A_323 = arith.index_cast %parallel_loop3A_317 : i32 to index
      %parallel_loop3A_324 = tpu.vector_load %arg6[%parallel_loop3A_322, %parallel_loop3A_323] {strides = array<i32>} : memref<4x4096xf32, #tpu.memory_space<vmem>>, vector<1x16xf32>,
      %parallel_loop3A_325 = vector.shape_cast %parallel_loop3A_324 : vector<1x16xf32> to vector<16xf32>
      %parallel_loop3A_326 = arith.mulf %parallel_loop3A_320, %parallel_loop3A_325 : vector<16xf32>
      %parallel_loop3A_327 = arith.addf %parallel_loop3A_306, %parallel_loop3A_326 : vector<16xf32>
      %parallel_loop3A_328 = arith.constant 1 : i32
      %parallel_loop3A_329 = arith.index_cast %parallel_loop3A_328 : i32 to index
      %parallel_loop3A_330 = arith.index_cast %parallel_loop3A_317 : i32 to index
      %parallel_loop3A_331 = tpu.vector_load %arg6[%parallel_loop3A_329, %parallel_loop3A_330] {strides = array<i32>} : memref<4x4096xf32, #tpu.memory_space<vmem>>, vector<1x16xf32>,
      %parallel_loop3A_332 = vector.shape_cast %parallel_loop3A_331 : vector<1x16xf32> to vector<16xf32>
      %parallel_loop3A_333 = arith.mulf %parallel_loop3A_320, %parallel_loop3A_332 : vector<16xf32>
      %parallel_loop3A_334 = arith.addf %parallel_loop3A_310, %parallel_loop3A_333 : vector<16xf32>
      %parallel_loop3A_335 = arith.constant 1 : i32
      %parallel_loop3A_336 = arith.addi %parallel_loop3A_305, %parallel_loop3A_335 : i32
      %parallel_loop3A_337 = arith.constant 16 : i32
      %parallel_loop3A_338 = arith.muli %parallel_loop3A_336, %parallel_loop3A_337 : i32
      %parallel_loop3A_339 = arith.index_cast %parallel_loop3A_338 : i32 to index
      %parallel_loop3A_340 = tpu.vector_load %arg5[%parallel_loop3A_339] {strides = array<i32>} : memref<4096xf32, #tpu.memory_space<vmem>>, vector<16xf32>,
      %parallel_loop3A_341 = vector.shape_cast %parallel_loop3A_340 : vector<16xf32> to vector<16xf32>
      %parallel_loop3A_342 = arith.constant 0 : i32
      %parallel_loop3A_343 = arith.index_cast %parallel_loop3A_342 : i32 to index
      %parallel_loop3A_344 = arith.index_cast %parallel_loop3A_338 : i32 to index
      %parallel_loop3A_345 = tpu.vector_load %arg6[%parallel_loop3A_343, %parallel_loop3A_344] {strides = array<i32>} : memref<4x4096xf32, #tpu.memory_space<vmem>>, vector<1x16xf32>,
      %parallel_loop3A_346 = vector.shape_cast %parallel_loop3A_345 : vector<1x16xf32> to vector<16xf32>
      %parallel_loop3A_347 = arith.mulf %parallel_loop3A_341, %parallel_loop3A_346 : vector<16xf32>
      %parallel_loop3A_348 = arith.addf %parallel_loop3A_307, %parallel_loop3A_347 : vector<16xf32>
      %parallel_loop3A_349 = arith.constant 1 : i32
      %parallel_loop3A_350 = arith.index_cast %parallel_loop3A_349 : i32 to index
      %parallel_loop3A_351 = arith.index_cast %parallel_loop3A_338 : i32 to index
      %parallel_loop3A_352 = tpu.vector_load %arg6[%parallel_loop3A_350, %parallel_loop3A_351] {strides = array<i32>} : memref<4x4096xf32, #tpu.memory_space<vmem>>, vector<1x16xf32>,
      %parallel_loop3A_353 = vector.shape_cast %parallel_loop3A_352 : vector<1x16xf32> to vector<16xf32>
      %parallel_loop3A_354 = arith.mulf %parallel_loop3A_341, %parallel_loop3A_353 : vector<16xf32>
      %parallel_loop3A_355 = arith.addf %parallel_loop3A_311, %parallel_loop3A_354 : vector<16xf32>
      %parallel_loop3A_356 = arith.constant 2 : i32
      %parallel_loop3A_357 = arith.addi %parallel_loop3A_305, %parallel_loop3A_356 : i32
      %parallel_loop3A_358 = arith.constant 16 : i32
      %parallel_loop3A_359 = arith.muli %parallel_loop3A_357, %parallel_loop3A_358 : i32
      %parallel_loop3A_360 = arith.index_cast %parallel_loop3A_359 : i32 to index
      %parallel_loop3A_361 = tpu.vector_load %arg5[%parallel_loop3A_360] {strides = array<i32>} : memref<4096xf32, #tpu.memory_space<vmem>>, vector<16xf32>,
      %parallel_loop3A_362 = vector.shape_cast %parallel_loop3A_361 : vector<16xf32> to vector<16xf32>
      %parallel_loop3A_363 = arith.constant 0 : i32
      %parallel_loop3A_364 = arith.index_cast %parallel_loop3A_363 : i32 to index
      %parallel_loop3A_365 = arith.index_cast %parallel_loop3A_359 : i32 to index
      %parallel_loop3A_366 = tpu.vector_load %arg6[%parallel_loop3A_364, %parallel_loop3A_365] {strides = array<i32>} : memref<4x4096xf32, #tpu.memory_space<vmem>>, vector<1x16xf32>,
      %parallel_loop3A_367 = vector.shape_cast %parallel_loop3A_366 : vector<1x16xf32> to vector<16xf32>
      %parallel_loop3A_368 = arith.mulf %parallel_loop3A_362, %parallel_loop3A_367 : vector<16xf32>
      %parallel_loop3A_369 = arith.addf %parallel_loop3A_308, %parallel_loop3A_368 : vector<16xf32>
      %parallel_loop3A_370 = arith.constant 1 : i32
      %parallel_loop3A_371 = arith.index_cast %parallel_loop3A_370 : i32 to index
      %parallel_loop3A_372 = arith.index_cast %parallel_loop3A_359 : i32 to index
      %parallel_loop3A_373 = tpu.vector_load %arg6[%parallel_loop3A_371, %parallel_loop3A_372] {strides = array<i32>} : memref<4x4096xf32, #tpu.memory_space<vmem>>, vector<1x16xf32>,
      %parallel_loop3A_374 = vector.shape_cast %parallel_loop3A_373 : vector<1x16xf32> to vector<16xf32>
      %parallel_loop3A_375 = arith.mulf %parallel_loop3A_362, %parallel_loop3A_374 : vector<16xf32>
      %parallel_loop3A_376 = arith.addf %parallel_loop3A_312, %parallel_loop3A_375 : vector<16xf32>
      %parallel_loop3A_377 = arith.constant 3 : i32
      %parallel_loop3A_378 = arith.addi %parallel_loop3A_305, %parallel_loop3A_377 : i32
      %parallel_loop3A_379 = arith.constant 16 : i32
      %parallel_loop3A_380 = arith.muli %parallel_loop3A_378, %parallel_loop3A_379 : i32
      %parallel_loop3A_381 = arith.index_cast %parallel_loop3A_380 : i32 to index
      %parallel_loop3A_382 = tpu.vector_load %arg5[%parallel_loop3A_381] {strides = array<i32>} : memref<4096xf32, #tpu.memory_space<vmem>>, vector<16xf32>,
      %parallel_loop3A_383 = vector.shape_cast %parallel_loop3A_382 : vector<16xf32> to vector<16xf32>
      %parallel_loop3A_384 = arith.constant 0 : i32
      %parallel_loop3A_385 = arith.index_cast %parallel_loop3A_384 : i32 to index
      %parallel_loop3A_386 = arith.index_cast %parallel_loop3A_380 : i32 to index
      %parallel_loop3A_387 = tpu.vector_load %arg6[%parallel_loop3A_385, %parallel_loop3A_386] {strides = array<i32>} : memref<4x4096xf32, #tpu.memory_space<vmem>>, vector<1x16xf32>,
      %parallel_loop3A_388 = vector.shape_cast %parallel_loop3A_387 : vector<1x16xf32> to vector<16xf32>
      %parallel_loop3A_389 = arith.mulf %parallel_loop3A_383, %parallel_loop3A_388 : vector<16xf32>
      %parallel_loop3A_390 = arith.addf %parallel_loop3A_309, %parallel_loop3A_389 : vector<16xf32>
      %parallel_loop3A_391 = arith.constant 1 : i32
      %parallel_loop3A_392 = arith.index_cast %parallel_loop3A_391 : i32 to index
      %parallel_loop3A_393 = arith.index_cast %parallel_loop3A_380 : i32 to index
      %parallel_loop3A_394 = tpu.vector_load %arg6[%parallel_loop3A_392, %parallel_loop3A_393] {strides = array<i32>} : memref<4x4096xf32, #tpu.memory_space<vmem>>, vector<1x16xf32>,
      %parallel_loop3A_395 = vector.shape_cast %parallel_loop3A_394 : vector<1x16xf32> to vector<16xf32>
      %parallel_loop3A_396 = arith.mulf %parallel_loop3A_383, %parallel_loop3A_395 : vector<16xf32>
      %parallel_loop3A_397 = arith.addf %parallel_loop3A_313, %parallel_loop3A_396 : vector<16xf32>
      scf.yield %parallel_loop3A_327, %parallel_loop3A_348, %parallel_loop3A_369, %parallel_loop3A_390, %parallel_loop3A_334, %parallel_loop3A_355, %parallel_loop3A_376, %parallel_loop3A_397 : vector<16xf32>, vector<16xf32>, vector<16xf32>, vector<16xf32>, vector<16xf32>, vector<16xf32>, vector<16xf32>, vector<16xf32>
    } {sc.loop_unroll_factor = 4 : i64, sc.parallel_access}
    %add3A_34 = arith.addf %parallel_loop3A_33#0, %parallel_loop3A_33#1 : vector<16xf32>
    %add3A_35 = arith.addf %parallel_loop3A_33#2, %parallel_loop3A_33#3 : vector<16xf32>
    %add3A_36 = arith.addf %add3A_34, %add3A_35 : vector<16xf32>
    %add3A_37 = arith.addf %parallel_loop3A_33#4, %parallel_loop3A_33#5 : vector<16xf32>
    %add3A_38 = arith.addf %parallel_loop3A_33#6, %parallel_loop3A_33#7 : vector<16xf32>
    %add3A_39 = arith.addf %add3A_37, %add3A_38 : vector<16xf32>
    %dma_wait3A_40 = arith.constant 2 : i32
    %dma_wait3A_41 = arith.constant 0 : i32
    %dma_wait3A_42 = tpu.memref_slice %arg6[%dma_wait3A_40, %dma_wait3A_41] : memref<4x4096xf32, #tpu.memory_space<vmem>> -> memref<2x4096xf32, #tpu.memory_space<vmem>>
    %dma_wait3A_43 = arith.constant 0 : i32
    %dma_wait3A_44 = tpu.memref_slice %arg3[%add3A_10, %dma_wait3A_43] : memref<64x4096xf32, #tpu.memory_space<hbm>> -> memref<2x4096xf32, #tpu.memory_space<hbm>>
    %dma_wait3A_45 = arith.constant 2 : i32
    %dma_wait3A_46 = arith.constant 0 : i32
    %dma_wait3A_47 = tpu.memref_slice %arg6[%dma_wait3A_45, %dma_wait3A_46] : memref<4x4096xf32, #tpu.memory_space<vmem>> -> memref<2x4096xf32, #tpu.memory_space<vmem>>
    %dma_wait3A_48 = arith.constant 0 : i32
    %dma_wait3A_49 = tpu.memref_slice %arg3[%add3A_10, %dma_wait3A_48] : memref<64x4096xf32, #tpu.memory_space<hbm>> -> memref<2x4096xf32, #tpu.memory_space<hbm>>
    tpu.wait_dma2 semaphore(%arg13 : memref<!tpu.dma_semaphore, #tpu.memory_space<semaphore_mem>>) src(%dma_wait3A_49 : memref<2x4096xf32, #tpu.memory_space<hbm>>) dst(%dma_wait3A_47 : memref<2x4096xf32, #tpu.memory_space<vmem>>)
    %parallel_loop3A_50 = arith.constant 0 : i32
    %parallel_loop3A_51 = arith.constant 256 : i32
    %parallel_loop3A_52 = arith.constant 4 : i32
    %parallel_loop3A_53:8 = scf.for %parallel_loop3A_305 = %parallel_loop3A_50 to %parallel_loop3A_51 step %parallel_loop3A_52 iter_args(%parallel_loop3A_306 = %broadcast_in_dim3A_21, %parallel_loop3A_307 = %broadcast_in_dim3A_21, %parallel_loop3A_308 = %broadcast_in_dim3A_21, %parallel_loop3A_309 = %broadcast_in_dim3A_21, %parallel_loop3A_310 = %broadcast_in_dim3A_21, %parallel_loop3A_311 = %broadcast_in_dim3A_21, %parallel_loop3A_312 = %broadcast_in_dim3A_21, %parallel_loop3A_313 = %broadcast_in_dim3A_21) -> (vector<16xf32>, vector<16xf32>, vector<16xf32>, vector<16xf32>, vector<16xf32>, vector<16xf32>, vector<16xf32>, vector<16xf32>)  : i32 {
      %parallel_loop3A_314 = arith.constant 0 : i32
      %parallel_loop3A_315 = arith.addi %parallel_loop3A_305, %parallel_loop3A_314 : i32
      %parallel_loop3A_316 = arith.constant 16 : i32
      %parallel_loop3A_317 = arith.muli %parallel_loop3A_315, %parallel_loop3A_316 : i32
      %parallel_loop3A_318 = arith.index_cast %parallel_loop3A_317 : i32 to index
      %parallel_loop3A_319 = tpu.vector_load %arg5[%parallel_loop3A_318] {strides = array<i32>} : memref<4096xf32, #tpu.memory_space<vmem>>, vector<16xf32>,
      %parallel_loop3A_320 = vector.shape_cast %parallel_loop3A_319 : vector<16xf32> to vector<16xf32>
      %parallel_loop3A_321 = arith.constant 2 : i32
      %parallel_loop3A_322 = arith.index_cast %parallel_loop3A_321 : i32 to index
      %parallel_loop3A_323 = arith.index_cast %parallel_loop3A_317 : i32 to index
      %parallel_loop3A_324 = tpu.vector_load %arg6[%parallel_loop3A_322, %parallel_loop3A_323] {strides = array<i32>} : memref<4x4096xf32, #tpu.memory_space<vmem>>, vector<1x16xf32>,
      %parallel_loop3A_325 = vector.shape_cast %parallel_loop3A_324 : vector<1x16xf32> to vector<16xf32>
      %parallel_loop3A_326 = arith.mulf %parallel_loop3A_320, %parallel_loop3A_325 : vector<16xf32>
      %parallel_loop3A_327 = arith.addf %parallel_loop3A_306, %parallel_loop3A_326 : vector<16xf32>
      %parallel_loop3A_328 = arith.constant 3 : i32
      %parallel_loop3A_329 = arith.index_cast %parallel_loop3A_328 : i32 to index
      %parallel_loop3A_330 = arith.index_cast %parallel_loop3A_317 : i32 to index
      %parallel_loop3A_331 = tpu.vector_load %arg6[%parallel_loop3A_329, %parallel_loop3A_330] {strides = array<i32>} : memref<4x4096xf32, #tpu.memory_space<vmem>>, vector<1x16xf32>,
      %parallel_loop3A_332 = vector.shape_cast %parallel_loop3A_331 : vector<1x16xf32> to vector<16xf32>
      %parallel_loop3A_333 = arith.mulf %parallel_loop3A_320, %parallel_loop3A_332 : vector<16xf32>
      %parallel_loop3A_334 = arith.addf %parallel_loop3A_310, %parallel_loop3A_333 : vector<16xf32>
      %parallel_loop3A_335 = arith.constant 1 : i32
      %parallel_loop3A_336 = arith.addi %parallel_loop3A_305, %parallel_loop3A_335 : i32
      %parallel_loop3A_337 = arith.constant 16 : i32
      %parallel_loop3A_338 = arith.muli %parallel_loop3A_336, %parallel_loop3A_337 : i32
      %parallel_loop3A_339 = arith.index_cast %parallel_loop3A_338 : i32 to index
      %parallel_loop3A_340 = tpu.vector_load %arg5[%parallel_loop3A_339] {strides = array<i32>} : memref<4096xf32, #tpu.memory_space<vmem>>, vector<16xf32>,
      %parallel_loop3A_341 = vector.shape_cast %parallel_loop3A_340 : vector<16xf32> to vector<16xf32>
      %parallel_loop3A_342 = arith.constant 2 : i32
      %parallel_loop3A_343 = arith.index_cast %parallel_loop3A_342 : i32 to index
      %parallel_loop3A_344 = arith.index_cast %parallel_loop3A_338 : i32 to index
      %parallel_loop3A_345 = tpu.vector_load %arg6[%parallel_loop3A_343, %parallel_loop3A_344] {strides = array<i32>} : memref<4x4096xf32, #tpu.memory_space<vmem>>, vector<1x16xf32>,
      %parallel_loop3A_346 = vector.shape_cast %parallel_loop3A_345 : vector<1x16xf32> to vector<16xf32>
      %parallel_loop3A_347 = arith.mulf %parallel_loop3A_341, %parallel_loop3A_346 : vector<16xf32>
      %parallel_loop3A_348 = arith.addf %parallel_loop3A_307, %parallel_loop3A_347 : vector<16xf32>
      %parallel_loop3A_349 = arith.constant 3 : i32
      %parallel_loop3A_350 = arith.index_cast %parallel_loop3A_349 : i32 to index
      %parallel_loop3A_351 = arith.index_cast %parallel_loop3A_338 : i32 to index
      %parallel_loop3A_352 = tpu.vector_load %arg6[%parallel_loop3A_350, %parallel_loop3A_351] {strides = array<i32>} : memref<4x4096xf32, #tpu.memory_space<vmem>>, vector<1x16xf32>,
      %parallel_loop3A_353 = vector.shape_cast %parallel_loop3A_352 : vector<1x16xf32> to vector<16xf32>
      %parallel_loop3A_354 = arith.mulf %parallel_loop3A_341, %parallel_loop3A_353 : vector<16xf32>
      %parallel_loop3A_355 = arith.addf %parallel_loop3A_311, %parallel_loop3A_354 : vector<16xf32>
      %parallel_loop3A_356 = arith.constant 2 : i32
      %parallel_loop3A_357 = arith.addi %parallel_loop3A_305, %parallel_loop3A_356 : i32
      %parallel_loop3A_358 = arith.constant 16 : i32
      %parallel_loop3A_359 = arith.muli %parallel_loop3A_357, %parallel_loop3A_358 : i32
      %parallel_loop3A_360 = arith.index_cast %parallel_loop3A_359 : i32 to index
      %parallel_loop3A_361 = tpu.vector_load %arg5[%parallel_loop3A_360] {strides = array<i32>} : memref<4096xf32, #tpu.memory_space<vmem>>, vector<16xf32>,
      %parallel_loop3A_362 = vector.shape_cast %parallel_loop3A_361 : vector<16xf32> to vector<16xf32>
      %parallel_loop3A_363 = arith.constant 2 : i32
      %parallel_loop3A_364 = arith.index_cast %parallel_loop3A_363 : i32 to index
      %parallel_loop3A_365 = arith.index_cast %parallel_loop3A_359 : i32 to index
      %parallel_loop3A_366 = tpu.vector_load %arg6[%parallel_loop3A_364, %parallel_loop3A_365] {strides = array<i32>} : memref<4x4096xf32, #tpu.memory_space<vmem>>, vector<1x16xf32>,
      %parallel_loop3A_367 = vector.shape_cast %parallel_loop3A_366 : vector<1x16xf32> to vector<16xf32>
      %parallel_loop3A_368 = arith.mulf %parallel_loop3A_362, %parallel_loop3A_367 : vector<16xf32>
      %parallel_loop3A_369 = arith.addf %parallel_loop3A_308, %parallel_loop3A_368 : vector<16xf32>
      %parallel_loop3A_370 = arith.constant 3 : i32
      %parallel_loop3A_371 = arith.index_cast %parallel_loop3A_370 : i32 to index
      %parallel_loop3A_372 = arith.index_cast %parallel_loop3A_359 : i32 to index
      %parallel_loop3A_373 = tpu.vector_load %arg6[%parallel_loop3A_371, %parallel_loop3A_372] {strides = array<i32>} : memref<4x4096xf32, #tpu.memory_space<vmem>>, vector<1x16xf32>,
      %parallel_loop3A_374 = vector.shape_cast %parallel_loop3A_373 : vector<1x16xf32> to vector<16xf32>
      %parallel_loop3A_375 = arith.mulf %parallel_loop3A_362, %parallel_loop3A_374 : vector<16xf32>
      %parallel_loop3A_376 = arith.addf %parallel_loop3A_312, %parallel_loop3A_375 : vector<16xf32>
      %parallel_loop3A_377 = arith.constant 3 : i32
      %parallel_loop3A_378 = arith.addi %parallel_loop3A_305, %parallel_loop3A_377 : i32
      %parallel_loop3A_379 = arith.constant 16 : i32
      %parallel_loop3A_380 = arith.muli %parallel_loop3A_378, %parallel_loop3A_379 : i32
      %parallel_loop3A_381 = arith.index_cast %parallel_loop3A_380 : i32 to index
      %parallel_loop3A_382 = tpu.vector_load %arg5[%parallel_loop3A_381] {strides = array<i32>} : memref<4096xf32, #tpu.memory_space<vmem>>, vector<16xf32>,
      %parallel_loop3A_383 = vector.shape_cast %parallel_loop3A_382 : vector<16xf32> to vector<16xf32>
      %parallel_loop3A_384 = arith.constant 2 : i32
      %parallel_loop3A_385 = arith.index_cast %parallel_loop3A_384 : i32 to index
      %parallel_loop3A_386 = arith.index_cast %parallel_loop3A_380 : i32 to index
      %parallel_loop3A_387 = tpu.vector_load %arg6[%parallel_loop3A_385, %parallel_loop3A_386] {strides = array<i32>} : memref<4x4096xf32, #tpu.memory_space<vmem>>, vector<1x16xf32>,
      %parallel_loop3A_388 = vector.shape_cast %parallel_loop3A_387 : vector<1x16xf32> to vector<16xf32>
      %parallel_loop3A_389 = arith.mulf %parallel_loop3A_383, %parallel_loop3A_388 : vector<16xf32>
      %parallel_loop3A_390 = arith.addf %parallel_loop3A_309, %parallel_loop3A_389 : vector<16xf32>
      %parallel_loop3A_391 = arith.constant 3 : i32
      %parallel_loop3A_392 = arith.index_cast %parallel_loop3A_391 : i32 to index
      %parallel_loop3A_393 = arith.index_cast %parallel_loop3A_380 : i32 to index
      %parallel_loop3A_394 = tpu.vector_load %arg6[%parallel_loop3A_392, %parallel_loop3A_393] {strides = array<i32>} : memref<4x4096xf32, #tpu.memory_space<vmem>>, vector<1x16xf32>,
      %parallel_loop3A_395 = vector.shape_cast %parallel_loop3A_394 : vector<1x16xf32> to vector<16xf32>
      %parallel_loop3A_396 = arith.mulf %parallel_loop3A_383, %parallel_loop3A_395 : vector<16xf32>
      %parallel_loop3A_397 = arith.addf %parallel_loop3A_313, %parallel_loop3A_396 : vector<16xf32>
      scf.yield %parallel_loop3A_327, %parallel_loop3A_348, %parallel_loop3A_369, %parallel_loop3A_390, %parallel_loop3A_334, %parallel_loop3A_355, %parallel_loop3A_376, %parallel_loop3A_397 : vector<16xf32>, vector<16xf32>, vector<16xf32>, vector<16xf32>, vector<16xf32>, vector<16xf32>, vector<16xf32>, vector<16xf32>
    } {sc.loop_unroll_factor = 4 : i64, sc.parallel_access}
    %add3A_54 = arith.addf %parallel_loop3A_53#0, %parallel_loop3A_53#1 : vector<16xf32>
    %add3A_55 = arith.addf %parallel_loop3A_53#2, %parallel_loop3A_53#3 : vector<16xf32>
    %add3A_56 = arith.addf %add3A_54, %add3A_55 : vector<16xf32>
    %add3A_57 = arith.addf %parallel_loop3A_53#4, %parallel_loop3A_53#5 : vector<16xf32>
    %add3A_58 = arith.addf %parallel_loop3A_53#6, %parallel_loop3A_53#7 : vector<16xf32>
    %add3A_59 = arith.addf %add3A_57, %add3A_58 : vector<16xf32>
    %iota3A = tpu.iota {dimensions = array<i32: 0>} : vector<16xi32>
    %xor3A = arith.constant 8 : i32
    %xor3A_60 = vector.broadcast %xor3A : i32 to vector<16xi32>
    %xor3A_61 = arith.xori %iota3A, %xor3A_60 : vector<16xi32>
    %lt3A = arith.constant 0 : i32
    %lt3A_62 = vector.broadcast %lt3A : i32 to vector<16xi32>
    %lt3A_63 = arith.cmpi slt, %xor3A_61, %lt3A_62 : vector<16xi32>
    %add3A_64 = arith.constant 16 : i32
    %add3A_65 = vector.broadcast %add3A_64 : i32 to vector<16xi32>
    %add3A_66 = arith.addi %xor3A_61, %add3A_65 : vector<16xi32>
    %select_n3A = arith.select %lt3A_63, %add3A_66, %xor3A_61 : vector<16xi1>, vector<16xi32>
    %broadcast_in_dim3A_67 = vector.shape_cast %select_n3A : vector<16xi32> to vector<16x1xi32>
    %gather3A = vector.shape_cast %broadcast_in_dim3A_67 : vector<16x1xi32> to vector<16xi32>
    %gather3A_68 = tpu.dynamic_gather %add3A_36[%gather3A] in [0] : vector<16xf32>, vector<16xi32> -> vector<16xf32>
    %add3A_69 = arith.addf %add3A_36, %gather3A_68 : vector<16xf32>
    %xor3A_70 = arith.constant 4 : i32
    %xor3A_71 = vector.broadcast %xor3A_70 : i32 to vector<16xi32>
    %xor3A_72 = arith.xori %iota3A, %xor3A_71 : vector<16xi32>
    %lt3A_73 = arith.constant 0 : i32
    %lt3A_74 = vector.broadcast %lt3A_73 : i32 to vector<16xi32>
    %lt3A_75 = arith.cmpi slt, %xor3A_72, %lt3A_74 : vector<16xi32>
    %add3A_76 = arith.constant 16 : i32
    %add3A_77 = vector.broadcast %add3A_76 : i32 to vector<16xi32>
    %add3A_78 = arith.addi %xor3A_72, %add3A_77 : vector<16xi32>
    %select_n3A_79 = arith.select %lt3A_75, %add3A_78, %xor3A_72 : vector<16xi1>, vector<16xi32>
    %broadcast_in_dim3A_80 = vector.shape_cast %select_n3A_79 : vector<16xi32> to vector<16x1xi32>
    %gather3A_81 = vector.shape_cast %broadcast_in_dim3A_80 : vector<16x1xi32> to vector<16xi32>
    %gather3A_82 = tpu.dynamic_gather %add3A_69[%gather3A_81] in [0] : vector<16xf32>, vector<16xi32> -> vector<16xf32>
    %add3A_83 = arith.addf %add3A_69, %gather3A_82 : vector<16xf32>
    %xor3A_84 = arith.constant 2 : i32
    %xor3A_85 = vector.broadcast %xor3A_84 : i32 to vector<16xi32>
    %xor3A_86 = arith.xori %iota3A, %xor3A_85 : vector<16xi32>
    %lt3A_87 = arith.constant 0 : i32
    %lt3A_88 = vector.broadcast %lt3A_87 : i32 to vector<16xi32>
    %lt3A_89 = arith.cmpi slt, %xor3A_86, %lt3A_88 : vector<16xi32>
    %add3A_90 = arith.constant 16 : i32
    %add3A_91 = vector.broadcast %add3A_90 : i32 to vector<16xi32>
    %add3A_92 = arith.addi %xor3A_86, %add3A_91 : vector<16xi32>
    %select_n3A_93 = arith.select %lt3A_89, %add3A_92, %xor3A_86 : vector<16xi1>, vector<16xi32>
    %broadcast_in_dim3A_94 = vector.shape_cast %select_n3A_93 : vector<16xi32> to vector<16x1xi32>
    %gather3A_95 = vector.shape_cast %broadcast_in_dim3A_94 : vector<16x1xi32> to vector<16xi32>
    %gather3A_96 = tpu.dynamic_gather %add3A_83[%gather3A_95] in [0] : vector<16xf32>, vector<16xi32> -> vector<16xf32>
    %add3A_97 = arith.addf %add3A_83, %gather3A_96 : vector<16xf32>
    %xor3A_98 = arith.constant 1 : i32
    %xor3A_99 = vector.broadcast %xor3A_98 : i32 to vector<16xi32>
    %xor3A_100 = arith.xori %iota3A, %xor3A_99 : vector<16xi32>
    %lt3A_101 = arith.constant 0 : i32
    %lt3A_102 = vector.broadcast %lt3A_101 : i32 to vector<16xi32>
    %lt3A_103 = arith.cmpi slt, %xor3A_100, %lt3A_102 : vector<16xi32>
    %add3A_104 = arith.constant 16 : i32
    %add3A_105 = vector.broadcast %add3A_104 : i32 to vector<16xi32>
    %add3A_106 = arith.addi %xor3A_100, %add3A_105 : vector<16xi32>
    %select_n3A_107 = arith.select %lt3A_103, %add3A_106, %xor3A_100 : vector<16xi1>, vector<16xi32>
    %broadcast_in_dim3A_108 = vector.shape_cast %select_n3A_107 : vector<16xi32> to vector<16x1xi32>
    %gather3A_109 = vector.shape_cast %broadcast_in_dim3A_108 : vector<16x1xi32> to vector<16xi32>
    %gather3A_110 = tpu.dynamic_gather %add3A_97[%gather3A_109] in [0] : vector<16xf32>, vector<16xi32> -> vector<16xf32>
    %add3A_111 = arith.addf %add3A_97, %gather3A_110 : vector<16xf32>
    %xor3A_112 = arith.constant 8 : i32
    %xor3A_113 = vector.broadcast %xor3A_112 : i32 to vector<16xi32>
    %xor3A_114 = arith.xori %iota3A, %xor3A_113 : vector<16xi32>
    %lt3A_115 = arith.constant 0 : i32
    %lt3A_116 = vector.broadcast %lt3A_115 : i32 to vector<16xi32>
    %lt3A_117 = arith.cmpi slt, %xor3A_114, %lt3A_116 : vector<16xi32>
    %add3A_118 = arith.constant 16 : i32
    %add3A_119 = vector.broadcast %add3A_118 : i32 to vector<16xi32>
    %add3A_120 = arith.addi %xor3A_114, %add3A_119 : vector<16xi32>
    %select_n3A_121 = arith.select %lt3A_117, %add3A_120, %xor3A_114 : vector<16xi1>, vector<16xi32>
    %broadcast_in_dim3A_122 = vector.shape_cast %select_n3A_121 : vector<16xi32> to vector<16x1xi32>
    %gather3A_123 = vector.shape_cast %broadcast_in_dim3A_122 : vector<16x1xi32> to vector<16xi32>
    %gather3A_124 = tpu.dynamic_gather %add3A_39[%gather3A_123] in [0] : vector<16xf32>, vector<16xi32> -> vector<16xf32>
    %add3A_125 = arith.addf %add3A_39, %gather3A_124 : vector<16xf32>
    %xor3A_126 = arith.constant 4 : i32
    %xor3A_127 = vector.broadcast %xor3A_126 : i32 to vector<16xi32>
    %xor3A_128 = arith.xori %iota3A, %xor3A_127 : vector<16xi32>
    %lt3A_129 = arith.constant 0 : i32
    %lt3A_130 = vector.broadcast %lt3A_129 : i32 to vector<16xi32>
    %lt3A_131 = arith.cmpi slt, %xor3A_128, %lt3A_130 : vector<16xi32>
    %add3A_132 = arith.constant 16 : i32
    %add3A_133 = vector.broadcast %add3A_132 : i32 to vector<16xi32>
    %add3A_134 = arith.addi %xor3A_128, %add3A_133 : vector<16xi32>
    %select_n3A_135 = arith.select %lt3A_131, %add3A_134, %xor3A_128 : vector<16xi1>, vector<16xi32>
    %broadcast_in_dim3A_136 = vector.shape_cast %select_n3A_135 : vector<16xi32> to vector<16x1xi32>
    %gather3A_137 = vector.shape_cast %broadcast_in_dim3A_136 : vector<16x1xi32> to vector<16xi32>
    %gather3A_138 = tpu.dynamic_gather %add3A_125[%gather3A_137] in [0] : vector<16xf32>, vector<16xi32> -> vector<16xf32>
    %add3A_139 = arith.addf %add3A_125, %gather3A_138 : vector<16xf32>
    %xor3A_140 = arith.constant 2 : i32
    %xor3A_141 = vector.broadcast %xor3A_140 : i32 to vector<16xi32>
    %xor3A_142 = arith.xori %iota3A, %xor3A_141 : vector<16xi32>
    %lt3A_143 = arith.constant 0 : i32
    %lt3A_144 = vector.broadcast %lt3A_143 : i32 to vector<16xi32>
    %lt3A_145 = arith.cmpi slt, %xor3A_142, %lt3A_144 : vector<16xi32>
    %add3A_146 = arith.constant 16 : i32
    %add3A_147 = vector.broadcast %add3A_146 : i32 to vector<16xi32>
    %add3A_148 = arith.addi %xor3A_142, %add3A_147 : vector<16xi32>
    %select_n3A_149 = arith.select %lt3A_145, %add3A_148, %xor3A_142 : vector<16xi1>, vector<16xi32>
    %broadcast_in_dim3A_150 = vector.shape_cast %select_n3A_149 : vector<16xi32> to vector<16x1xi32>
    %gather3A_151 = vector.shape_cast %broadcast_in_dim3A_150 : vector<16x1xi32> to vector<16xi32>
    %gather3A_152 = tpu.dynamic_gather %add3A_139[%gather3A_151] in [0] : vector<16xf32>, vector<16xi32> -> vector<16xf32>
    %add3A_153 = arith.addf %add3A_139, %gather3A_152 : vector<16xf32>
    %xor3A_154 = arith.constant 1 : i32
    %xor3A_155 = vector.broadcast %xor3A_154 : i32 to vector<16xi32>
    %xor3A_156 = arith.xori %iota3A, %xor3A_155 : vector<16xi32>
    %lt3A_157 = arith.constant 0 : i32
    %lt3A_158 = vector.broadcast %lt3A_157 : i32 to vector<16xi32>
    %lt3A_159 = arith.cmpi slt, %xor3A_156, %lt3A_158 : vector<16xi32>
    %add3A_160 = arith.constant 16 : i32
    %add3A_161 = vector.broadcast %add3A_160 : i32 to vector<16xi32>
    %add3A_162 = arith.addi %xor3A_156, %add3A_161 : vector<16xi32>
    %select_n3A_163 = arith.select %lt3A_159, %add3A_162, %xor3A_156 : vector<16xi1>, vector<16xi32>
    %broadcast_in_dim3A_164 = vector.shape_cast %select_n3A_163 : vector<16xi32> to vector<16x1xi32>
    %gather3A_165 = vector.shape_cast %broadcast_in_dim3A_164 : vector<16x1xi32> to vector<16xi32>
    %gather3A_166 = tpu.dynamic_gather %add3A_153[%gather3A_165] in [0] : vector<16xf32>, vector<16xi32> -> vector<16xf32>
    %add3A_167 = arith.addf %add3A_153, %gather3A_166 : vector<16xf32>
    %xor3A_168 = arith.constant 8 : i32
    %xor3A_169 = vector.broadcast %xor3A_168 : i32 to vector<16xi32>
    %xor3A_170 = arith.xori %iota3A, %xor3A_169 : vector<16xi32>
    %lt3A_171 = arith.constant 0 : i32
    %lt3A_172 = vector.broadcast %lt3A_171 : i32 to vector<16xi32>
    %lt3A_173 = arith.cmpi slt, %xor3A_170, %lt3A_172 : vector<16xi32>
    %add3A_174 = arith.constant 16 : i32
    %add3A_175 = vector.broadcast %add3A_174 : i32 to vector<16xi32>
    %add3A_176 = arith.addi %xor3A_170, %add3A_175 : vector<16xi32>
    %select_n3A_177 = arith.select %lt3A_173, %add3A_176, %xor3A_170 : vector<16xi1>, vector<16xi32>
    %broadcast_in_dim3A_178 = vector.shape_cast %select_n3A_177 : vector<16xi32> to vector<16x1xi32>
    %gather3A_179 = vector.shape_cast %broadcast_in_dim3A_178 : vector<16x1xi32> to vector<16xi32>
    %gather3A_180 = tpu.dynamic_gather %add3A_56[%gather3A_179] in [0] : vector<16xf32>, vector<16xi32> -> vector<16xf32>
    %add3A_181 = arith.addf %add3A_56, %gather3A_180 : vector<16xf32>
    %xor3A_182 = arith.constant 4 : i32
    %xor3A_183 = vector.broadcast %xor3A_182 : i32 to vector<16xi32>
    %xor3A_184 = arith.xori %iota3A, %xor3A_183 : vector<16xi32>
    %lt3A_185 = arith.constant 0 : i32
    %lt3A_186 = vector.broadcast %lt3A_185 : i32 to vector<16xi32>
    %lt3A_187 = arith.cmpi slt, %xor3A_184, %lt3A_186 : vector<16xi32>
    %add3A_188 = arith.constant 16 : i32
    %add3A_189 = vector.broadcast %add3A_188 : i32 to vector<16xi32>
    %add3A_190 = arith.addi %xor3A_184, %add3A_189 : vector<16xi32>
    %select_n3A_191 = arith.select %lt3A_187, %add3A_190, %xor3A_184 : vector<16xi1>, vector<16xi32>
    %broadcast_in_dim3A_192 = vector.shape_cast %select_n3A_191 : vector<16xi32> to vector<16x1xi32>
    %gather3A_193 = vector.shape_cast %broadcast_in_dim3A_192 : vector<16x1xi32> to vector<16xi32>
    %gather3A_194 = tpu.dynamic_gather %add3A_181[%gather3A_193] in [0] : vector<16xf32>, vector<16xi32> -> vector<16xf32>
    %add3A_195 = arith.addf %add3A_181, %gather3A_194 : vector<16xf32>
    %xor3A_196 = arith.constant 2 : i32
    %xor3A_197 = vector.broadcast %xor3A_196 : i32 to vector<16xi32>
    %xor3A_198 = arith.xori %iota3A, %xor3A_197 : vector<16xi32>
    %lt3A_199 = arith.constant 0 : i32
    %lt3A_200 = vector.broadcast %lt3A_199 : i32 to vector<16xi32>
    %lt3A_201 = arith.cmpi slt, %xor3A_198, %lt3A_200 : vector<16xi32>
    %add3A_202 = arith.constant 16 : i32
    %add3A_203 = vector.broadcast %add3A_202 : i32 to vector<16xi32>
    %add3A_204 = arith.addi %xor3A_198, %add3A_203 : vector<16xi32>
    %select_n3A_205 = arith.select %lt3A_201, %add3A_204, %xor3A_198 : vector<16xi1>, vector<16xi32>
    %broadcast_in_dim3A_206 = vector.shape_cast %select_n3A_205 : vector<16xi32> to vector<16x1xi32>
    %gather3A_207 = vector.shape_cast %broadcast_in_dim3A_206 : vector<16x1xi32> to vector<16xi32>
    %gather3A_208 = tpu.dynamic_gather %add3A_195[%gather3A_207] in [0] : vector<16xf32>, vector<16xi32> -> vector<16xf32>
    %add3A_209 = arith.addf %add3A_195, %gather3A_208 : vector<16xf32>
    %xor3A_210 = arith.constant 1 : i32
    %xor3A_211 = vector.broadcast %xor3A_210 : i32 to vector<16xi32>
    %xor3A_212 = arith.xori %iota3A, %xor3A_211 : vector<16xi32>
    %lt3A_213 = arith.constant 0 : i32
    %lt3A_214 = vector.broadcast %lt3A_213 : i32 to vector<16xi32>
    %lt3A_215 = arith.cmpi slt, %xor3A_212, %lt3A_214 : vector<16xi32>
    %add3A_216 = arith.constant 16 : i32
    %add3A_217 = vector.broadcast %add3A_216 : i32 to vector<16xi32>
    %add3A_218 = arith.addi %xor3A_212, %add3A_217 : vector<16xi32>
    %select_n3A_219 = arith.select %lt3A_215, %add3A_218, %xor3A_212 : vector<16xi1>, vector<16xi32>
    %broadcast_in_dim3A_220 = vector.shape_cast %select_n3A_219 : vector<16xi32> to vector<16x1xi32>
    %gather3A_221 = vector.shape_cast %broadcast_in_dim3A_220 : vector<16x1xi32> to vector<16xi32>
    %gather3A_222 = tpu.dynamic_gather %add3A_209[%gather3A_221] in [0] : vector<16xf32>, vector<16xi32> -> vector<16xf32>
    %add3A_223 = arith.addf %add3A_209, %gather3A_222 : vector<16xf32>
    %xor3A_224 = arith.constant 8 : i32
    %xor3A_225 = vector.broadcast %xor3A_224 : i32 to vector<16xi32>
    %xor3A_226 = arith.xori %iota3A, %xor3A_225 : vector<16xi32>
    %lt3A_227 = arith.constant 0 : i32
    %lt3A_228 = vector.broadcast %lt3A_227 : i32 to vector<16xi32>
    %lt3A_229 = arith.cmpi slt, %xor3A_226, %lt3A_228 : vector<16xi32>
    %add3A_230 = arith.constant 16 : i32
    %add3A_231 = vector.broadcast %add3A_230 : i32 to vector<16xi32>
    %add3A_232 = arith.addi %xor3A_226, %add3A_231 : vector<16xi32>
    %select_n3A_233 = arith.select %lt3A_229, %add3A_232, %xor3A_226 : vector<16xi1>, vector<16xi32>
    %broadcast_in_dim3A_234 = vector.shape_cast %select_n3A_233 : vector<16xi32> to vector<16x1xi32>
    %gather3A_235 = vector.shape_cast %broadcast_in_dim3A_234 : vector<16x1xi32> to vector<16xi32>
    %gather3A_236 = tpu.dynamic_gather %add3A_59[%gather3A_235] in [0] : vector<16xf32>, vector<16xi32> -> vector<16xf32>
    %add3A_237 = arith.addf %add3A_59, %gather3A_236 : vector<16xf32>
    %xor3A_238 = arith.constant 4 : i32
    %xor3A_239 = vector.broadcast %xor3A_238 : i32 to vector<16xi32>
    %xor3A_240 = arith.xori %iota3A, %xor3A_239 : vector<16xi32>
    %lt3A_241 = arith.constant 0 : i32
    %lt3A_242 = vector.broadcast %lt3A_241 : i32 to vector<16xi32>
    %lt3A_243 = arith.cmpi slt, %xor3A_240, %lt3A_242 : vector<16xi32>
    %add3A_244 = arith.constant 16 : i32
    %add3A_245 = vector.broadcast %add3A_244 : i32 to vector<16xi32>
    %add3A_246 = arith.addi %xor3A_240, %add3A_245 : vector<16xi32>
    %select_n3A_247 = arith.select %lt3A_243, %add3A_246, %xor3A_240 : vector<16xi1>, vector<16xi32>
    %broadcast_in_dim3A_248 = vector.shape_cast %select_n3A_247 : vector<16xi32> to vector<16x1xi32>
    %gather3A_249 = vector.shape_cast %broadcast_in_dim3A_248 : vector<16x1xi32> to vector<16xi32>
    %gather3A_250 = tpu.dynamic_gather %add3A_237[%gather3A_249] in [0] : vector<16xf32>, vector<16xi32> -> vector<16xf32>
    %add3A_251 = arith.addf %add3A_237, %gather3A_250 : vector<16xf32>
    %xor3A_252 = arith.constant 2 : i32
    %xor3A_253 = vector.broadcast %xor3A_252 : i32 to vector<16xi32>
    %xor3A_254 = arith.xori %iota3A, %xor3A_253 : vector<16xi32>
    %lt3A_255 = arith.constant 0 : i32
    %lt3A_256 = vector.broadcast %lt3A_255 : i32 to vector<16xi32>
    %lt3A_257 = arith.cmpi slt, %xor3A_254, %lt3A_256 : vector<16xi32>
    %add3A_258 = arith.constant 16 : i32
    %add3A_259 = vector.broadcast %add3A_258 : i32 to vector<16xi32>
    %add3A_260 = arith.addi %xor3A_254, %add3A_259 : vector<16xi32>
    %select_n3A_261 = arith.select %lt3A_257, %add3A_260, %xor3A_254 : vector<16xi1>, vector<16xi32>
    %broadcast_in_dim3A_262 = vector.shape_cast %select_n3A_261 : vector<16xi32> to vector<16x1xi32>
    %gather3A_263 = vector.shape_cast %broadcast_in_dim3A_262 : vector<16x1xi32> to vector<16xi32>
    %gather3A_264 = tpu.dynamic_gather %add3A_251[%gather3A_263] in [0] : vector<16xf32>, vector<16xi32> -> vector<16xf32>
    %add3A_265 = arith.addf %add3A_251, %gather3A_264 : vector<16xf32>
    %xor3A_266 = arith.constant 1 : i32
    %xor3A_267 = vector.broadcast %xor3A_266 : i32 to vector<16xi32>
    %xor3A_268 = arith.xori %iota3A, %xor3A_267 : vector<16xi32>
    %lt3A_269 = arith.constant 0 : i32
    %lt3A_270 = vector.broadcast %lt3A_269 : i32 to vector<16xi32>
    %lt3A_271 = arith.cmpi slt, %xor3A_268, %lt3A_270 : vector<16xi32>
    %add3A_272 = arith.constant 16 : i32
    %add3A_273 = vector.broadcast %add3A_272 : i32 to vector<16xi32>
    %add3A_274 = arith.addi %xor3A_268, %add3A_273 : vector<16xi32>
    %select_n3A_275 = arith.select %lt3A_271, %add3A_274, %xor3A_268 : vector<16xi1>, vector<16xi32>
    %broadcast_in_dim3A_276 = vector.shape_cast %select_n3A_275 : vector<16xi32> to vector<16x1xi32>
    %gather3A_277 = vector.shape_cast %broadcast_in_dim3A_276 : vector<16x1xi32> to vector<16xi32>
    %gather3A_278 = tpu.dynamic_gather %add3A_265[%gather3A_277] in [0] : vector<16xf32>, vector<16xi32> -> vector<16xf32>
    %add3A_279 = arith.addf %add3A_265, %gather3A_278 : vector<16xf32>
    %eq3A = arith.constant 1 : i32
    %eq3A_280 = vector.broadcast %eq3A : i32 to vector<16xi32>
    %eq3A_281 = arith.cmpi eq, %iota3A, %eq3A_280 : vector<16xi32>
    %select_n3A_282 = arith.select %eq3A_281, %add3A_167, %add3A_111 : vector<16xi1>, vector<16xf32>
    %eq3A_283 = arith.constant 2 : i32
    %eq3A_284 = vector.broadcast %eq3A_283 : i32 to vector<16xi32>
    %eq3A_285 = arith.cmpi eq, %iota3A, %eq3A_284 : vector<16xi32>
    %select_n3A_286 = arith.select %eq3A_285, %add3A_223, %select_n3A_282 : vector<16xi1>, vector<16xf32>
    %eq3A_287 = arith.constant 3 : i32
    %eq3A_288 = vector.broadcast %eq3A_287 : i32 to vector<16xi32>
    %eq3A_289 = arith.cmpi eq, %iota3A, %eq3A_288 : vector<16xi32>
    %select_n3A_290 = arith.select %eq3A_289, %add3A_279, %select_n3A_286 : vector<16xi1>, vector<16xf32>
    %lt3A_291 = arith.constant 4 : i32
    %lt3A_292 = vector.broadcast %lt3A_291 : i32 to vector<16xi32>
    %lt3A_293 = arith.cmpi slt, %iota3A, %lt3A_292 : vector<16xi32>
    %broadcast_in_dim3A_294 = arith.constant -3.000000e+38 : f32
    %broadcast_in_dim3A_295 = vector.broadcast %broadcast_in_dim3A_294 : f32 to vector<16xf32>
    %select_n3A_296 = arith.select %lt3A_293, %select_n3A_290, %broadcast_in_dim3A_295 : vector<16xi1>, vector<16xf32>
    %swap3A = arith.constant 0 : index
    %swap3A_297 = tpu.vector_load %arg7[%swap3A] {strides = array<i32>} : memref<16xf32, #tpu.memory_space<vmem>>, vector<16xf32>,
    %swap3A_298 = vector.shape_cast %swap3A_297 : vector<16xf32> to vector<16xf32>
    %swap3A_299 = vector.shape_cast %select_n3A_296 : vector<16xf32> to vector<16xf32>
    tpu.vector_store %arg7[%swap3A], %swap3A_299 {strides = array<i32>} : memref<16xf32, #tpu.memory_space<vmem>>, vector<16xf32>,
    %mul3A_300 = arith.constant 16 : i32
    %mul3A_301 = arith.muli %arg1, %mul3A_300 : i32
    "tpu.region"() ({
      %run_scoped3A = tpu.sem_alloc : memref<!tpu.dma_semaphore, #tpu.memory_space<semaphore_mem>>
      %dma_start3A_305 = tpu.memref_slice %arg8[%mul3A_301] : memref<256xf32, #tpu.memory_space<vmem_shared>> -> memref<16xf32, #tpu.memory_space<vmem_shared>>
      %dma_start3A_306 = tpu.memref_slice %arg8[%mul3A_301] : memref<256xf32, #tpu.memory_space<vmem_shared>> -> memref<16xf32, #tpu.memory_space<vmem_shared>>
      tpu.enqueue_dma source(%arg7 : memref<16xf32, #tpu.memory_space<vmem>>) target(%dma_start3A_306 : memref<16xf32, #tpu.memory_space<vmem_shared>>) target_semaphore(%run_scoped3A : memref<!tpu.dma_semaphore, #tpu.memory_space<semaphore_mem>>)
      %dma_wait3A_307 = tpu.memref_slice %arg8[%mul3A_301] : memref<256xf32, #tpu.memory_space<vmem_shared>> -> memref<16xf32, #tpu.memory_space<vmem_shared>>
      %dma_wait3A_308 = tpu.memref_slice %arg8[%mul3A_301] : memref<256xf32, #tpu.memory_space<vmem_shared>> -> memref<16xf32, #tpu.memory_space<vmem_shared>>
      tpu.wait_dma2 semaphore(%run_scoped3A : memref<!tpu.dma_semaphore, #tpu.memory_space<semaphore_mem>>) src(%arg7 : memref<16xf32, #tpu.memory_space<vmem>>) dst(%dma_wait3A_308 : memref<16xf32, #tpu.memory_space<vmem_shared>>)
      tpu.yield
    }) : () -> ()
    %barrier3A = arith.constant 0 : index
    tpu.barrier barrier_id(%barrier3A)
    %eq3A_302 = arith.constant 0 : i32
    %eq3A_303 = arith.cmpi eq, %arg1, %eq3A_302 : i32
    %convert_element_type3A = arith.extui %eq3A_303 : i1 to i32
    %cond3A = arith.constant 0 : i32
    %cond3A_304 = arith.cmpi ne, %convert_element_type3A, %cond3A : i32
    scf.if %cond3A_304 {
      "tpu.region"() ({
        %run_scoped3A = tpu.sem_alloc : memref<!tpu.dma_semaphore, #tpu.memory_space<semaphore_mem>>
        tpu.enqueue_dma source(%arg8 : memref<256xf32, #tpu.memory_space<vmem_shared>>) target(%arg9 : memref<256xf32, #tpu.memory_space<vmem>>) target_semaphore(%run_scoped3A : memref<!tpu.dma_semaphore, #tpu.memory_space<semaphore_mem>>)
        tpu.wait_dma2 semaphore(%run_scoped3A : memref<!tpu.dma_semaphore, #tpu.memory_space<semaphore_mem>>) src(%arg8 : memref<256xf32, #tpu.memory_space<vmem_shared>>) dst(%arg9 : memref<256xf32, #tpu.memory_space<vmem>>)
        tpu.yield
      }) : () -> ()
      %get3A = arith.constant 0 : index
      %get3A_305 = tpu.vector_load %arg9[%get3A] {strides = array<i32>} : memref<256xf32, #tpu.memory_space<vmem>>, vector<16xf32>,
      %get3A_306 = vector.shape_cast %get3A_305 : vector<16xf32> to vector<16xf32>
      %get3A_307 = arith.constant 16 : index
      %get3A_308 = tpu.vector_load %arg9[%get3A_307] {strides = array<i32>} : memref<256xf32, #tpu.memory_space<vmem>>, vector<16xf32>,
      %get3A_309 = vector.shape_cast %get3A_308 : vector<16xf32> to vector<16xf32>
      %get3A_310 = arith.constant 32 : index
      %get3A_311 = tpu.vector_load %arg9[%get3A_310] {strides = array<i32>} : memref<256xf32, #tpu.memory_space<vmem>>, vector<16xf32>,
      %get3A_312 = vector.shape_cast %get3A_311 : vector<16xf32> to vector<16xf32>
      %get3A_313 = arith.constant 48 : index
      %get3A_314 = tpu.vector_load %arg9[%get3A_313] {strides = array<i32>} : memref<256xf32, #tpu.memory_space<vmem>>, vector<16xf32>,
      %get3A_315 = vector.shape_cast %get3A_314 : vector<16xf32> to vector<16xf32>
      %get3A_316 = arith.constant 64 : index
      %get3A_317 = tpu.vector_load %arg9[%get3A_316] {strides = array<i32>} : memref<256xf32, #tpu.memory_space<vmem>>, vector<16xf32>,
      %get3A_318 = vector.shape_cast %get3A_317 : vector<16xf32> to vector<16xf32>
      %get3A_319 = arith.constant 80 : index
      %get3A_320 = tpu.vector_load %arg9[%get3A_319] {strides = array<i32>} : memref<256xf32, #tpu.memory_space<vmem>>, vector<16xf32>,
      %get3A_321 = vector.shape_cast %get3A_320 : vector<16xf32> to vector<16xf32>
      %get3A_322 = arith.constant 96 : index
      %get3A_323 = tpu.vector_load %arg9[%get3A_322] {strides = array<i32>} : memref<256xf32, #tpu.memory_space<vmem>>, vector<16xf32>,
      %get3A_324 = vector.shape_cast %get3A_323 : vector<16xf32> to vector<16xf32>
      %get3A_325 = arith.constant 112 : index
      %get3A_326 = tpu.vector_load %arg9[%get3A_325] {strides = array<i32>} : memref<256xf32, #tpu.memory_space<vmem>>, vector<16xf32>,
      %get3A_327 = vector.shape_cast %get3A_326 : vector<16xf32> to vector<16xf32>
      %get3A_328 = arith.constant 128 : index
      %get3A_329 = tpu.vector_load %arg9[%get3A_328] {strides = array<i32>} : memref<256xf32, #tpu.memory_space<vmem>>, vector<16xf32>,
      %get3A_330 = vector.shape_cast %get3A_329 : vector<16xf32> to vector<16xf32>
      %get3A_331 = arith.constant 144 : index
      %get3A_332 = tpu.vector_load %arg9[%get3A_331] {strides = array<i32>} : memref<256xf32, #tpu.memory_space<vmem>>, vector<16xf32>,
      %get3A_333 = vector.shape_cast %get3A_332 : vector<16xf32> to vector<16xf32>
      %get3A_334 = arith.constant 160 : index
      %get3A_335 = tpu.vector_load %arg9[%get3A_334] {strides = array<i32>} : memref<256xf32, #tpu.memory_space<vmem>>, vector<16xf32>,
      %get3A_336 = vector.shape_cast %get3A_335 : vector<16xf32> to vector<16xf32>
      %get3A_337 = arith.constant 176 : index
      %get3A_338 = tpu.vector_load %arg9[%get3A_337] {strides = array<i32>} : memref<256xf32, #tpu.memory_space<vmem>>, vector<16xf32>,
      %get3A_339 = vector.shape_cast %get3A_338 : vector<16xf32> to vector<16xf32>
      %get3A_340 = arith.constant 192 : index
      %get3A_341 = tpu.vector_load %arg9[%get3A_340] {strides = array<i32>} : memref<256xf32, #tpu.memory_space<vmem>>, vector<16xf32>,
      %get3A_342 = vector.shape_cast %get3A_341 : vector<16xf32> to vector<16xf32>
      %get3A_343 = arith.constant 208 : index
      %get3A_344 = tpu.vector_load %arg9[%get3A_343] {strides = array<i32>} : memref<256xf32, #tpu.memory_space<vmem>>, vector<16xf32>,
      %get3A_345 = vector.shape_cast %get3A_344 : vector<16xf32> to vector<16xf32>
      %get3A_346 = arith.constant 224 : index
      %get3A_347 = tpu.vector_load %arg9[%get3A_346] {strides = array<i32>} : memref<256xf32, #tpu.memory_space<vmem>>, vector<16xf32>,
      %get3A_348 = vector.shape_cast %get3A_347 : vector<16xf32> to vector<16xf32>
      %get3A_349 = arith.constant 240 : index
      %get3A_350 = tpu.vector_load %arg9[%get3A_349] {strides = array<i32>} : memref<256xf32, #tpu.memory_space<vmem>>, vector<16xf32>,
      %get3A_351 = vector.shape_cast %get3A_350 : vector<16xf32> to vector<16xf32>
      %max3A = arith.maximumf %get3A_306, %get3A_309 : vector<16xf32>
      %max3A_352 = arith.maximumf %max3A, %get3A_312 : vector<16xf32>
      %max3A_353 = arith.maximumf %max3A_352, %get3A_315 : vector<16xf32>
      %max3A_354 = arith.maximumf %max3A_353, %get3A_318 : vector<16xf32>
      %max3A_355 = arith.maximumf %max3A_354, %get3A_321 : vector<16xf32>
      %max3A_356 = arith.maximumf %max3A_355, %get3A_324 : vector<16xf32>
      %max3A_357 = arith.maximumf %max3A_356, %get3A_327 : vector<16xf32>
      %max3A_358 = arith.maximumf %max3A_357, %get3A_330 : vector<16xf32>
      %max3A_359 = arith.maximumf %max3A_358, %get3A_333 : vector<16xf32>
      %max3A_360 = arith.maximumf %max3A_359, %get3A_336 : vector<16xf32>
      %max3A_361 = arith.maximumf %max3A_360, %get3A_339 : vector<16xf32>
      %max3A_362 = arith.maximumf %max3A_361, %get3A_342 : vector<16xf32>
      %max3A_363 = arith.maximumf %max3A_362, %get3A_345 : vector<16xf32>
      %max3A_364 = arith.maximumf %max3A_363, %get3A_348 : vector<16xf32>
      %max3A_365 = arith.maximumf %max3A_364, %get3A_351 : vector<16xf32>
      %xor3A_366 = arith.constant 8 : i32
      %xor3A_367 = vector.broadcast %xor3A_366 : i32 to vector<16xi32>
      %xor3A_368 = arith.xori %iota3A, %xor3A_367 : vector<16xi32>
      %lt3A_369 = arith.constant 0 : i32
      %lt3A_370 = vector.broadcast %lt3A_369 : i32 to vector<16xi32>
      %lt3A_371 = arith.cmpi slt, %xor3A_368, %lt3A_370 : vector<16xi32>
      %add3A_372 = arith.constant 16 : i32
      %add3A_373 = vector.broadcast %add3A_372 : i32 to vector<16xi32>
      %add3A_374 = arith.addi %xor3A_368, %add3A_373 : vector<16xi32>
      %select_n3A_375 = arith.select %lt3A_371, %add3A_374, %xor3A_368 : vector<16xi1>, vector<16xi32>
      %broadcast_in_dim3A_376 = vector.shape_cast %select_n3A_375 : vector<16xi32> to vector<16x1xi32>
      %gather3A_377 = vector.shape_cast %broadcast_in_dim3A_376 : vector<16x1xi32> to vector<16xi32>
      %gather3A_378 = tpu.dynamic_gather %max3A_365[%gather3A_377] in [0] : vector<16xf32>, vector<16xi32> -> vector<16xf32>
      %max3A_379 = arith.maximumf %max3A_365, %gather3A_378 : vector<16xf32>
      %xor3A_380 = arith.constant 4 : i32
      %xor3A_381 = vector.broadcast %xor3A_380 : i32 to vector<16xi32>
      %xor3A_382 = arith.xori %iota3A, %xor3A_381 : vector<16xi32>
      %lt3A_383 = arith.constant 0 : i32
      %lt3A_384 = vector.broadcast %lt3A_383 : i32 to vector<16xi32>
      %lt3A_385 = arith.cmpi slt, %xor3A_382, %lt3A_384 : vector<16xi32>
      %add3A_386 = arith.constant 16 : i32
      %add3A_387 = vector.broadcast %add3A_386 : i32 to vector<16xi32>
      %add3A_388 = arith.addi %xor3A_382, %add3A_387 : vector<16xi32>
      %select_n3A_389 = arith.select %lt3A_385, %add3A_388, %xor3A_382 : vector<16xi1>, vector<16xi32>
      %broadcast_in_dim3A_390 = vector.shape_cast %select_n3A_389 : vector<16xi32> to vector<16x1xi32>
      %gather3A_391 = vector.shape_cast %broadcast_in_dim3A_390 : vector<16x1xi32> to vector<16xi32>
      %gather3A_392 = tpu.dynamic_gather %max3A_379[%gather3A_391] in [0] : vector<16xf32>, vector<16xi32> -> vector<16xf32>
      %max3A_393 = arith.maximumf %max3A_379, %gather3A_392 : vector<16xf32>
      %xor3A_394 = arith.constant 2 : i32
      %xor3A_395 = vector.broadcast %xor3A_394 : i32 to vector<16xi32>
      %xor3A_396 = arith.xori %iota3A, %xor3A_395 : vector<16xi32>
      %lt3A_397 = arith.constant 0 : i32
      %lt3A_398 = vector.broadcast %lt3A_397 : i32 to vector<16xi32>
      %lt3A_399 = arith.cmpi slt, %xor3A_396, %lt3A_398 : vector<16xi32>
      %add3A_400 = arith.constant 16 : i32
      %add3A_401 = vector.broadcast %add3A_400 : i32 to vector<16xi32>
      %add3A_402 = arith.addi %xor3A_396, %add3A_401 : vector<16xi32>
      %select_n3A_403 = arith.select %lt3A_399, %add3A_402, %xor3A_396 : vector<16xi1>, vector<16xi32>
      %broadcast_in_dim3A_404 = vector.shape_cast %select_n3A_403 : vector<16xi32> to vector<16x1xi32>
      %gather3A_405 = vector.shape_cast %broadcast_in_dim3A_404 : vector<16x1xi32> to vector<16xi32>
      %gather3A_406 = tpu.dynamic_gather %max3A_393[%gather3A_405] in [0] : vector<16xf32>, vector<16xi32> -> vector<16xf32>
      %max3A_407 = arith.maximumf %max3A_393, %gather3A_406 : vector<16xf32>
      %xor3A_408 = arith.constant 1 : i32
      %xor3A_409 = vector.broadcast %xor3A_408 : i32 to vector<16xi32>
      %xor3A_410 = arith.xori %iota3A, %xor3A_409 : vector<16xi32>
      %lt3A_411 = arith.constant 0 : i32
      %lt3A_412 = vector.broadcast %lt3A_411 : i32 to vector<16xi32>
      %lt3A_413 = arith.cmpi slt, %xor3A_410, %lt3A_412 : vector<16xi32>
      %add3A_414 = arith.constant 16 : i32
      %add3A_415 = vector.broadcast %add3A_414 : i32 to vector<16xi32>
      %add3A_416 = arith.addi %xor3A_410, %add3A_415 : vector<16xi32>
      %select_n3A_417 = arith.select %lt3A_413, %add3A_416, %xor3A_410 : vector<16xi1>, vector<16xi32>
      %broadcast_in_dim3A_418 = vector.shape_cast %select_n3A_417 : vector<16xi32> to vector<16x1xi32>
      %gather3A_419 = vector.shape_cast %broadcast_in_dim3A_418 : vector<16x1xi32> to vector<16xi32>
      %gather3A_420 = tpu.dynamic_gather %max3A_407[%gather3A_419] in [0] : vector<16xf32>, vector<16xi32> -> vector<16xf32>
      %max3A_421 = arith.maximumf %max3A_407, %gather3A_420 : vector<16xf32>
      %broadcast_in_dim3A_422 = arith.constant 1073741824 : i32
      %broadcast_in_dim3A_423 = vector.broadcast %broadcast_in_dim3A_422 : i32 to vector<16xi32>
      %eq3A_424 = arith.cmpf oeq, %get3A_306, %max3A_421 : vector<16xf32>
      %add3A_425 = arith.constant 0 : i32
      %add3A_426 = vector.broadcast %add3A_425 : i32 to vector<16xi32>
      %add3A_427 = arith.addi %iota3A, %add3A_426 : vector<16xi32>
      %jit3A = arith.constant 1073741824 : i32
      %broadcast_in_dim3A_428 = vector.broadcast %jit3A : i32 to vector<16xi32>
      %select_n3A_429 = arith.select %eq3A_424, %add3A_427, %broadcast_in_dim3A_428 : vector<16xi1>, vector<16xi32>
      %min3A = arith.minsi %broadcast_in_dim3A_423, %select_n3A_429 : vector<16xi32>
      %eq3A_430 = arith.cmpf oeq, %get3A_309, %max3A_421 : vector<16xf32>
      %add3A_431 = arith.constant 4 : i32
      %add3A_432 = vector.broadcast %add3A_431 : i32 to vector<16xi32>
      %add3A_433 = arith.addi %iota3A, %add3A_432 : vector<16xi32>
      %jit3A_434 = arith.constant 1073741824 : i32
      %broadcast_in_dim3A_435 = vector.broadcast %jit3A_434 : i32 to vector<16xi32>
      %select_n3A_436 = arith.select %eq3A_430, %add3A_433, %broadcast_in_dim3A_435 : vector<16xi1>, vector<16xi32>
      %min3A_437 = arith.minsi %min3A, %select_n3A_436 : vector<16xi32>
      %eq3A_438 = arith.cmpf oeq, %get3A_312, %max3A_421 : vector<16xf32>
      %add3A_439 = arith.constant 8 : i32
      %add3A_440 = vector.broadcast %add3A_439 : i32 to vector<16xi32>
      %add3A_441 = arith.addi %iota3A, %add3A_440 : vector<16xi32>
      %jit3A_442 = arith.constant 1073741824 : i32
      %broadcast_in_dim3A_443 = vector.broadcast %jit3A_442 : i32 to vector<16xi32>
      %select_n3A_444 = arith.select %eq3A_438, %add3A_441, %broadcast_in_dim3A_443 : vector<16xi1>, vector<16xi32>
      %min3A_445 = arith.minsi %min3A_437, %select_n3A_444 : vector<16xi32>
      %eq3A_446 = arith.cmpf oeq, %get3A_315, %max3A_421 : vector<16xf32>
      %add3A_447 = arith.constant 12 : i32
      %add3A_448 = vector.broadcast %add3A_447 : i32 to vector<16xi32>
      %add3A_449 = arith.addi %iota3A, %add3A_448 : vector<16xi32>
      %jit3A_450 = arith.constant 1073741824 : i32
      %broadcast_in_dim3A_451 = vector.broadcast %jit3A_450 : i32 to vector<16xi32>
      %select_n3A_452 = arith.select %eq3A_446, %add3A_449, %broadcast_in_dim3A_451 : vector<16xi1>, vector<16xi32>
      %min3A_453 = arith.minsi %min3A_445, %select_n3A_452 : vector<16xi32>
      %eq3A_454 = arith.cmpf oeq, %get3A_318, %max3A_421 : vector<16xf32>
      %add3A_455 = arith.constant 16 : i32
      %add3A_456 = vector.broadcast %add3A_455 : i32 to vector<16xi32>
      %add3A_457 = arith.addi %iota3A, %add3A_456 : vector<16xi32>
      %jit3A_458 = arith.constant 1073741824 : i32
      %broadcast_in_dim3A_459 = vector.broadcast %jit3A_458 : i32 to vector<16xi32>
      %select_n3A_460 = arith.select %eq3A_454, %add3A_457, %broadcast_in_dim3A_459 : vector<16xi1>, vector<16xi32>
      %min3A_461 = arith.minsi %min3A_453, %select_n3A_460 : vector<16xi32>
      %eq3A_462 = arith.cmpf oeq, %get3A_321, %max3A_421 : vector<16xf32>
      %add3A_463 = arith.constant 20 : i32
      %add3A_464 = vector.broadcast %add3A_463 : i32 to vector<16xi32>
      %add3A_465 = arith.addi %iota3A, %add3A_464 : vector<16xi32>
      %jit3A_466 = arith.constant 1073741824 : i32
      %broadcast_in_dim3A_467 = vector.broadcast %jit3A_466 : i32 to vector<16xi32>
      %select_n3A_468 = arith.select %eq3A_462, %add3A_465, %broadcast_in_dim3A_467 : vector<16xi1>, vector<16xi32>
      %min3A_469 = arith.minsi %min3A_461, %select_n3A_468 : vector<16xi32>
      %eq3A_470 = arith.cmpf oeq, %get3A_324, %max3A_421 : vector<16xf32>
      %add3A_471 = arith.constant 24 : i32
      %add3A_472 = vector.broadcast %add3A_471 : i32 to vector<16xi32>
      %add3A_473 = arith.addi %iota3A, %add3A_472 : vector<16xi32>
      %jit3A_474 = arith.constant 1073741824 : i32
      %broadcast_in_dim3A_475 = vector.broadcast %jit3A_474 : i32 to vector<16xi32>
      %select_n3A_476 = arith.select %eq3A_470, %add3A_473, %broadcast_in_dim3A_475 : vector<16xi1>, vector<16xi32>
      %min3A_477 = arith.minsi %min3A_469, %select_n3A_476 : vector<16xi32>
      %eq3A_478 = arith.cmpf oeq, %get3A_327, %max3A_421 : vector<16xf32>
      %add3A_479 = arith.constant 28 : i32
      %add3A_480 = vector.broadcast %add3A_479 : i32 to vector<16xi32>
      %add3A_481 = arith.addi %iota3A, %add3A_480 : vector<16xi32>
      %jit3A_482 = arith.constant 1073741824 : i32
      %broadcast_in_dim3A_483 = vector.broadcast %jit3A_482 : i32 to vector<16xi32>
      %select_n3A_484 = arith.select %eq3A_478, %add3A_481, %broadcast_in_dim3A_483 : vector<16xi1>, vector<16xi32>
      %min3A_485 = arith.minsi %min3A_477, %select_n3A_484 : vector<16xi32>
      %eq3A_486 = arith.cmpf oeq, %get3A_330, %max3A_421 : vector<16xf32>
      %add3A_487 = arith.constant 32 : i32
      %add3A_488 = vector.broadcast %add3A_487 : i32 to vector<16xi32>
      %add3A_489 = arith.addi %iota3A, %add3A_488 : vector<16xi32>
      %jit3A_490 = arith.constant 1073741824 : i32
      %broadcast_in_dim3A_491 = vector.broadcast %jit3A_490 : i32 to vector<16xi32>
      %select_n3A_492 = arith.select %eq3A_486, %add3A_489, %broadcast_in_dim3A_491 : vector<16xi1>, vector<16xi32>
      %min3A_493 = arith.minsi %min3A_485, %select_n3A_492 : vector<16xi32>
      %eq3A_494 = arith.cmpf oeq, %get3A_333, %max3A_421 : vector<16xf32>
      %add3A_495 = arith.constant 36 : i32
      %add3A_496 = vector.broadcast %add3A_495 : i32 to vector<16xi32>
      %add3A_497 = arith.addi %iota3A, %add3A_496 : vector<16xi32>
      %jit3A_498 = arith.constant 1073741824 : i32
      %broadcast_in_dim3A_499 = vector.broadcast %jit3A_498 : i32 to vector<16xi32>
      %select_n3A_500 = arith.select %eq3A_494, %add3A_497, %broadcast_in_dim3A_499 : vector<16xi1>, vector<16xi32>
      %min3A_501 = arith.minsi %min3A_493, %select_n3A_500 : vector<16xi32>
      %eq3A_502 = arith.cmpf oeq, %get3A_336, %max3A_421 : vector<16xf32>
      %add3A_503 = arith.constant 40 : i32
      %add3A_504 = vector.broadcast %add3A_503 : i32 to vector<16xi32>
      %add3A_505 = arith.addi %iota3A, %add3A_504 : vector<16xi32>
      %jit3A_506 = arith.constant 1073741824 : i32
      %broadcast_in_dim3A_507 = vector.broadcast %jit3A_506 : i32 to vector<16xi32>
      %select_n3A_508 = arith.select %eq3A_502, %add3A_505, %broadcast_in_dim3A_507 : vector<16xi1>, vector<16xi32>
      %min3A_509 = arith.minsi %min3A_501, %select_n3A_508 : vector<16xi32>
      %eq3A_510 = arith.cmpf oeq, %get3A_339, %max3A_421 : vector<16xf32>
      %add3A_511 = arith.constant 44 : i32
      %add3A_512 = vector.broadcast %add3A_511 : i32 to vector<16xi32>
      %add3A_513 = arith.addi %iota3A, %add3A_512 : vector<16xi32>
      %jit3A_514 = arith.constant 1073741824 : i32
      %broadcast_in_dim3A_515 = vector.broadcast %jit3A_514 : i32 to vector<16xi32>
      %select_n3A_516 = arith.select %eq3A_510, %add3A_513, %broadcast_in_dim3A_515 : vector<16xi1>, vector<16xi32>
      %min3A_517 = arith.minsi %min3A_509, %select_n3A_516 : vector<16xi32>
      %eq3A_518 = arith.cmpf oeq, %get3A_342, %max3A_421 : vector<16xf32>
      %add3A_519 = arith.constant 48 : i32
      %add3A_520 = vector.broadcast %add3A_519 : i32 to vector<16xi32>
      %add3A_521 = arith.addi %iota3A, %add3A_520 : vector<16xi32>
      %jit3A_522 = arith.constant 1073741824 : i32
      %broadcast_in_dim3A_523 = vector.broadcast %jit3A_522 : i32 to vector<16xi32>
      %select_n3A_524 = arith.select %eq3A_518, %add3A_521, %broadcast_in_dim3A_523 : vector<16xi1>, vector<16xi32>
      %min3A_525 = arith.minsi %min3A_517, %select_n3A_524 : vector<16xi32>
      %eq3A_526 = arith.cmpf oeq, %get3A_345, %max3A_421 : vector<16xf32>
      %add3A_527 = arith.constant 52 : i32
      %add3A_528 = vector.broadcast %add3A_527 : i32 to vector<16xi32>
      %add3A_529 = arith.addi %iota3A, %add3A_528 : vector<16xi32>
      %jit3A_530 = arith.constant 1073741824 : i32
      %broadcast_in_dim3A_531 = vector.broadcast %jit3A_530 : i32 to vector<16xi32>
      %select_n3A_532 = arith.select %eq3A_526, %add3A_529, %broadcast_in_dim3A_531 : vector<16xi1>, vector<16xi32>
      %min3A_533 = arith.minsi %min3A_525, %select_n3A_532 : vector<16xi32>
      %eq3A_534 = arith.cmpf oeq, %get3A_348, %max3A_421 : vector<16xf32>
      %add3A_535 = arith.constant 56 : i32
      %add3A_536 = vector.broadcast %add3A_535 : i32 to vector<16xi32>
      %add3A_537 = arith.addi %iota3A, %add3A_536 : vector<16xi32>
      %jit3A_538 = arith.constant 1073741824 : i32
      %broadcast_in_dim3A_539 = vector.broadcast %jit3A_538 : i32 to vector<16xi32>
      %select_n3A_540 = arith.select %eq3A_534, %add3A_537, %broadcast_in_dim3A_539 : vector<16xi1>, vector<16xi32>
      %min3A_541 = arith.minsi %min3A_533, %select_n3A_540 : vector<16xi32>
      %eq3A_542 = arith.cmpf oeq, %get3A_351, %max3A_421 : vector<16xf32>
      %add3A_543 = arith.constant 60 : i32
      %add3A_544 = vector.broadcast %add3A_543 : i32 to vector<16xi32>
      %add3A_545 = arith.addi %iota3A, %add3A_544 : vector<16xi32>
      %jit3A_546 = arith.constant 1073741824 : i32
      %broadcast_in_dim3A_547 = vector.broadcast %jit3A_546 : i32 to vector<16xi32>
      %select_n3A_548 = arith.select %eq3A_542, %add3A_545, %broadcast_in_dim3A_547 : vector<16xi1>, vector<16xi32>
      %min3A_549 = arith.minsi %min3A_541, %select_n3A_548 : vector<16xi32>
      %xor3A_550 = arith.constant 8 : i32
      %xor3A_551 = vector.broadcast %xor3A_550 : i32 to vector<16xi32>
      %xor3A_552 = arith.xori %iota3A, %xor3A_551 : vector<16xi32>
      %lt3A_553 = arith.constant 0 : i32
      %lt3A_554 = vector.broadcast %lt3A_553 : i32 to vector<16xi32>
      %lt3A_555 = arith.cmpi slt, %xor3A_552, %lt3A_554 : vector<16xi32>
      %add3A_556 = arith.constant 16 : i32
      %add3A_557 = vector.broadcast %add3A_556 : i32 to vector<16xi32>
      %add3A_558 = arith.addi %xor3A_552, %add3A_557 : vector<16xi32>
      %select_n3A_559 = arith.select %lt3A_555, %add3A_558, %xor3A_552 : vector<16xi1>, vector<16xi32>
      %broadcast_in_dim3A_560 = vector.shape_cast %select_n3A_559 : vector<16xi32> to vector<16x1xi32>
      %gather3A_561 = vector.shape_cast %broadcast_in_dim3A_560 : vector<16x1xi32> to vector<16xi32>
      %gather3A_562 = tpu.dynamic_gather %min3A_549[%gather3A_561] in [0] : vector<16xi32>, vector<16xi32> -> vector<16xi32>
      %min3A_563 = arith.minsi %min3A_549, %gather3A_562 : vector<16xi32>
      %xor3A_564 = arith.constant 4 : i32
      %xor3A_565 = vector.broadcast %xor3A_564 : i32 to vector<16xi32>
      %xor3A_566 = arith.xori %iota3A, %xor3A_565 : vector<16xi32>
      %lt3A_567 = arith.constant 0 : i32
      %lt3A_568 = vector.broadcast %lt3A_567 : i32 to vector<16xi32>
      %lt3A_569 = arith.cmpi slt, %xor3A_566, %lt3A_568 : vector<16xi32>
      %add3A_570 = arith.constant 16 : i32
      %add3A_571 = vector.broadcast %add3A_570 : i32 to vector<16xi32>
      %add3A_572 = arith.addi %xor3A_566, %add3A_571 : vector<16xi32>
      %select_n3A_573 = arith.select %lt3A_569, %add3A_572, %xor3A_566 : vector<16xi1>, vector<16xi32>
      %broadcast_in_dim3A_574 = vector.shape_cast %select_n3A_573 : vector<16xi32> to vector<16x1xi32>
      %gather3A_575 = vector.shape_cast %broadcast_in_dim3A_574 : vector<16x1xi32> to vector<16xi32>
      %gather3A_576 = tpu.dynamic_gather %min3A_563[%gather3A_575] in [0] : vector<16xi32>, vector<16xi32> -> vector<16xi32>
      %min3A_577 = arith.minsi %min3A_563, %gather3A_576 : vector<16xi32>
      %xor3A_578 = arith.constant 2 : i32
      %xor3A_579 = vector.broadcast %xor3A_578 : i32 to vector<16xi32>
      %xor3A_580 = arith.xori %iota3A, %xor3A_579 : vector<16xi32>
      %lt3A_581 = arith.constant 0 : i32
      %lt3A_582 = vector.broadcast %lt3A_581 : i32 to vector<16xi32>
      %lt3A_583 = arith.cmpi slt, %xor3A_580, %lt3A_582 : vector<16xi32>
      %add3A_584 = arith.constant 16 : i32
      %add3A_585 = vector.broadcast %add3A_584 : i32 to vector<16xi32>
      %add3A_586 = arith.addi %xor3A_580, %add3A_585 : vector<16xi32>
      %select_n3A_587 = arith.select %lt3A_583, %add3A_586, %xor3A_580 : vector<16xi1>, vector<16xi32>
      %broadcast_in_dim3A_588 = vector.shape_cast %select_n3A_587 : vector<16xi32> to vector<16x1xi32>
      %gather3A_589 = vector.shape_cast %broadcast_in_dim3A_588 : vector<16x1xi32> to vector<16xi32>
      %gather3A_590 = tpu.dynamic_gather %min3A_577[%gather3A_589] in [0] : vector<16xi32>, vector<16xi32> -> vector<16xi32>
      %min3A_591 = arith.minsi %min3A_577, %gather3A_590 : vector<16xi32>
      %xor3A_592 = arith.constant 1 : i32
      %xor3A_593 = vector.broadcast %xor3A_592 : i32 to vector<16xi32>
      %xor3A_594 = arith.xori %iota3A, %xor3A_593 : vector<16xi32>
      %lt3A_595 = arith.constant 0 : i32
      %lt3A_596 = vector.broadcast %lt3A_595 : i32 to vector<16xi32>
      %lt3A_597 = arith.cmpi slt, %xor3A_594, %lt3A_596 : vector<16xi32>
      %add3A_598 = arith.constant 16 : i32
      %add3A_599 = vector.broadcast %add3A_598 : i32 to vector<16xi32>
      %add3A_600 = arith.addi %xor3A_594, %add3A_599 : vector<16xi32>
      %select_n3A_601 = arith.select %lt3A_597, %add3A_600, %xor3A_594 : vector<16xi1>, vector<16xi32>
      %broadcast_in_dim3A_602 = vector.shape_cast %select_n3A_601 : vector<16xi32> to vector<16x1xi32>
      %gather3A_603 = vector.shape_cast %broadcast_in_dim3A_602 : vector<16x1xi32> to vector<16xi32>
      %gather3A_604 = tpu.dynamic_gather %min3A_591[%gather3A_603] in [0] : vector<16xi32>, vector<16xi32> -> vector<16xi32>
      %min3A_605 = arith.minsi %min3A_591, %gather3A_604 : vector<16xi32>
      %swap3A_606 = arith.constant 0 : index
      %swap3A_607 = tpu.vector_load %arg10[%swap3A_606] {strides = array<i32>} : memref<16xi32, #tpu.memory_space<vmem>>, vector<16xi32>,
      %swap3A_608 = vector.shape_cast %swap3A_607 : vector<16xi32> to vector<16xi32>
      %swap3A_609 = vector.shape_cast %min3A_605 : vector<16xi32> to vector<16xi32>
      tpu.vector_store %arg10[%swap3A_606], %swap3A_609 {strides = array<i32>} : memref<16xi32, #tpu.memory_space<vmem>>, vector<16xi32>,
      "tpu.region"() ({
        %run_scoped3A = tpu.sem_alloc : memref<!tpu.dma_semaphore, #tpu.memory_space<semaphore_mem>>
        tpu.enqueue_dma source(%arg10 : memref<16xi32, #tpu.memory_space<vmem>>) target(%arg4 : memref<16xi32, #tpu.memory_space<hbm>>) target_semaphore(%run_scoped3A : memref<!tpu.dma_semaphore, #tpu.memory_space<semaphore_mem>>)
        tpu.wait_dma2 semaphore(%run_scoped3A : memref<!tpu.dma_semaphore, #tpu.memory_space<semaphore_mem>>) src(%arg10 : memref<16xi32, #tpu.memory_space<vmem>>) dst(%arg4 : memref<16xi32, #tpu.memory_space<hbm>>)
        tpu.yield
      }) : () -> ()
    } else {
    }
    return
  }
}

</mosaic_0001>

<sc_bundles>
// kernel: kernel.3.cloned.1.call-start
scs
__scs_entry_jumppad:
0x0: {  	(pc) =	sbr.rel $0x88, $3  }
0x1: {  	(tag) =	ssettag $0x0;
	lr =	simm.s32 $0x1  }
0x2: {  	[smem:$0x3F9F] =	sst lr;
	_ =	strace $0xD0000000  }
0x3: {  	_ = 	snop  }
0x4: {  	_ = 	snop  }
0x5: {  	_ = 	snop  }
0x6: {  	_ = 	snop  }
0x7: {  	_ = 	snop  }
__scs_overlays_trampoline_lowered:
0x8: {  	[smem:$0x3FAE] =	sst s0  }
0x9: {  	[smem:$0x3FAF] =	sst s1  }
0xa: {  	[smem:$0x3FB0] =	sst s2  }
0xb: {  	[smem:$0x3FB1] =	sst s3  }
0xc: {  	[smem:$0x3FB2] =	sst s4  }
0xd: {  	[smem:$0x3FB3] =	sst s5  }
0xe: {  	[smem:$0x3FB4] =	sst s6  }
0xf: {  	[smem:$0x3FB5] =	sst s7  }
0x10: {  	[smem:$0x3FB6] =	sst s8  }
0x11: {  	[smem:$0x3FB7] =	sst s9;
	s0 =	simm.s32 @!p0 $0x0  }
0x12: {  	s1 =	sld [smem:$0x3F9D];
	s0 =	simm.s32 @p0 $0x1  }
0x13: {  	[smem:$0x3FB8] =	sst s0;
	s0 =	simm.s32 @!p1 $0x0  }
0x14: {  	s2 =	sld [smem:$0x3F9C];
	s0 =	simm.s32 @p1 $0x1  }
0x15: {  	[smem:$0x3FB9] =	sst s0;
	s0 =	simm.s32 @!p2 $0x0  }
0x16: {  	s3 =	sld [smem:$0x3FDB];
	s0 =	simm.s32 @p2 $0x1  }
0x17: {  	s4 =	simm.s32 $0x1BF5;
	[smem:$0x3FBB] =	sst s0  }
0x18: {  	s0 =	sld [smem:$0x3F9E];
	_ =	swait.ge [sflag:s4], $0x0  }
0x19: {  	s7 =	sld [smem:$0x3F9F]  }
0x1a: {  	s8 =	sadd.s32 $0xFFFFE003, lr  }
0x1b: {  	s9 =	sadd.s32 $0xFFFFFEF7, lr;
	s5 =	simm.s32 $0xFFFFFFFF;
	p2 =	slt.u32 s8, $0xFFFFF086  }
0x1c: {  	p1 =	slt.u32 s9, $0xF7A;
	s5 =	simm.s32 @!p2 $0x0  }
0x1d: {  	s5 =	simm.s32 @p1 $0x1;
	p0 =	seq.s32 s7, s2  }
0x1e: {  	s7 =	smul.u32 @!p0 $0xF7A, s2;
	p2 =	seq.s32 @!p0 s5, $0x0  }
0x1f: {  	s9 =	smul.u32 $0xF7A, s1;
	s8 =	simm.s32 @!p0 $0x1BF5;
	p2 =	por !p2, p0  }
0x20: {  	[sflag:s8] =	ssyncset.s32 @!p0 $0xFFFFF086;
	s6 =	sadd.s32 @!p0 s3, s7;
	s7 =	simm.s32 @!p0 $0x108  }
0x21: {  	s3 =	sadd.s32 s3, s9;
	s6 =	sadd.s32 @!p0 $0x88, s6;
	s7 =	simm.s32 @p2 $0x1082  }
0x22: {  	[simem:s7], [sflag:s8] =	dma.local @!p0 [hbm:s6], $0xF7A  }
0x23: {  	s9 =	sor.u32 $0xD0000000, s2;
	s6 =	simm.s32 $0x108;
	_ =	swait.ge @!p0 [sflag:s8], $0x0  }
0x24: {  	s3 =	sadd.s32 $0x88, s3;
	s6 =	simm.s32 @!p1 $0x1082;
	[sflag:s4] =	ssyncset.s32 $0xFFFFF086  }
0x25: {  	[simem:s6], [sflag:s4] =	dma.local [hbm:s3], $0xF7A  }
0x26: {  	[smem:$0x3F9F] =	sst s1;
	(tag) =	ssettag s2;
	_ =	strace s9  }
0x27: {  	s1 =	sld [smem:$0x3FAF]  }
0x28: {  	s2 =	sld [smem:$0x3FB0]  }
0x29: {  	s4 =	sld [smem:$0x3FB2]  }
0x2a: {  	p0 =	seq.s32 s5, $0x0;
	s5 =	sld [smem:$0x3FB3]  }
0x2b: {  	s6 =	sld [smem:$0x3FB4]  }
0x2c: {  	s7 =	sld [smem:$0x3FB5]  }
0x2d: {  	s3 =	simm.s32 $0x108;
	s8 =	sld [smem:$0x3FB6]  }
0x2e: {  	s3 =	simm.s32 @!p0 $0x1082;
	s9 =	sld [smem:$0x3FB7]  }
0x2f: {  	lr =	sadd.s32 s0, s3;
	s0 =	sld [smem:$0x3FAE]  }
0x30: {  	s3 =	sld [smem:$0x3FB1]  }
0x31: {  	[smem:$0x3FBA] =	sst s10  }
0x32: {  	s10 =	sld [smem:$0x3FB8];
	_ =	sdelay $0x3  }
0x33: {  	p0 =	seq.s32 s10, $0x1;
	s10 =	sld [smem:$0x3FBA];
	_ =	sdelay $0x3  }
0x34: {  	[smem:$0x3FBA] =	sst s10  }
0x35: {  	s10 =	sld [smem:$0x3FB9];
	_ =	sdelay $0x3  }
0x36: {  	p1 =	seq.s32 s10, $0x1;
	s10 =	sld [smem:$0x3FBA];
	_ =	sdelay $0x3  }
0x37: {  	[smem:$0x3FBA] =	sst s10  }
0x38: {  	s10 =	sld [smem:$0x3FBB]  }
0x39: {  	_ = 	snop;
	(pc) =	sbr.ind lr, $3  }
0x3a: {  	_ = 	snop  }
0x3b: {  	_ = 	snop  }
0x3c: {  	p2 =	seq.s32 s10, $0x1;
	s10 =	sld [smem:$0x3FBA]  }
0x3d: {  	_ =	shalt  }
0x3e: {  	_ =	shalt  }
0x3f: {  	_ =	shalt  }
0x40: {  	_ =	shalt  }
0x41: {  	_ =	shalt  }
0x42: {  	_ =	shalt  }
0x43: {  	_ =	shalt  }
0x44: {  	_ =	shalt  }
0x45: {  	_ =	shalt  }
0x46: {  	_ =	shalt  }
0x47: {  	_ =	shalt  }
0x48: {  	_ =	shalt  }
0x49: {  	_ =	shalt  }
0x4a: {  	_ =	shalt  }
0x4b: {  	_ =	shalt  }
0x4c: {  	_ =	shalt  }
0x4d: {  	_ =	shalt  }
0x4e: {  	_ =	shalt  }
0x4f: {  	_ =	shalt  }
0x50: {  	_ =	shalt  }
0x51: {  	_ =	shalt  }
0x52: {  	_ =	shalt  }
0x53: {  	_ =	shalt  }
0x54: {  	_ =	shalt  }
0x55: {  	_ =	shalt  }
0x56: {  	_ =	shalt  }
0x57: {  	_ =	shalt  }
0x58: {  	_ =	shalt  }
0x59: {  	_ =	shalt  }
0x5a: {  	_ =	shalt  }
0x5b: {  	_ =	shalt  }
0x5c: {  	_ =	shalt  }
0x5d: {  	_ =	shalt  }
0x5e: {  	_ =	shalt  }
0x5f: {  	_ =	shalt  }
0x60: {  	_ =	shalt  }
0x61: {  	_ =	shalt  }
0x62: {  	_ =	shalt  }
0x63: {  	_ =	shalt  }
0x64: {  	_ =	shalt  }
0x65: {  	_ =	shalt  }
0x66: {  	_ =	shalt  }
0x67: {  	_ =	shalt  }
0x68: {  	_ =	shalt  }
0x69: {  	_ =	shalt  }
0x6a: {  	_ =	shalt  }
0x6b: {  	_ =	shalt  }
0x6c: {  	_ =	shalt  }
0x6d: {  	_ =	shalt  }
0x6e: {  	_ =	shalt  }
0x6f: {  	_ =	shalt  }
0x70: {  	_ =	shalt  }
0x71: {  	_ =	shalt  }
0x72: {  	_ =	shalt  }
0x73: {  	_ =	shalt  }
0x74: {  	_ =	shalt  }
0x75: {  	_ =	shalt  }
0x76: {  	_ =	shalt  }
0x77: {  	_ =	shalt  }
0x78: {  	_ =	shalt  }
0x79: {  	_ =	shalt  }
0x7a: {  	_ =	shalt  }
0x7b: {  	_ =	shalt  }
0x7c: {  	_ =	shalt  }
0x7d: {  	_ =	shalt  }
0x7e: {  	_ =	shalt  }
0x7f: {  	_ =	shalt  }
0x80: {  	_ =	shalt  }
0x81: {  	_ =	shalt  }
0x82: {  	_ =	shalt  }
0x83: {  	_ =	shalt  }
0x84: {  	_ =	shalt  }
0x85: {  	_ =	shalt  }
0x86: {  	_ =	shalt  }
0x87: {  	_ =	shalt  }
.Lfunc_end0:
.L_simem_size_0:
called_computation_lowered:
.L_overlay_start_0:
0x88: {  	s0 =	sld [smem:$0x3FD9]  }
0x89: {  	s1 =	sld [smem:$0x3FFE];
	_ =	sdelay $0x3  }
0x8a: {  	s0 =	sadd.s32 s1, s0  }
0x8b: {  	[smem:$0x3FC6] =	sst s0  }
0x8c: {  	_ = 	snop  }
0x8d: {  	s0 =	sld [smem:$0x3FC9]  }
0x8e: {  	s17 =	sld [smem:$0x3FC8]  }
0x8f: {  	s2 =	sld [smem:$0x3FD0];
	(tm) =	ssettm $0x1  }
0x90: {  	s3 =	sld [smem:$0x3FFB];
	_ =	sdelay $0x3  }
0x91: {  	_ =	strace s3  }
0x92: {  	s3 =	sld [smem:$0x3FFC];
	_ =	sdelay $0x3  }
0x93: {  	_ =	strace s3  }
0x94: {  	s3 =	sld [smem:$0x3FFD];
	_ =	sdelay $0x3  }
0x95: {  	_ =	strace s3  }
0x96: {  	_ =	strace $0x8FFFFFFF  }
0x97: {  	s18 =	sld [smem:$0x3FDB];
	_ =	sdelay $0x1  }
0x98: {  	s4 =	simm.s32 $_scs_section_size  }
0x99: {  	s5 =	simm.s32 $_size__tile_overlayer_lowered;
	s6 =	simm.s32 $_tile_overlayer_lowered  }
0x9a: {  	s21 =	simm.s32 $0x1BFF;
	s20 =	sshll.u32 s6, $0x1;
	s3 =	sadd.s32 s4, s18  }
0x9b: {  	s7 =	simm.s32 $0x0;
	s19 =	sshll.u32 s5, $0x1;
	s5 =	sadd.s32 s20, s3  }
0x9c: {  	[timem:s7], [sflag:s21] =	dma.local [hbm:s5], s19  }
0x9d: {  	_ =	swait.ge [sflag:s21], s19  }
0x9e: {  	s4 =	ssub.s32 $0x0, s19;
	[sflag:s21] =	ssyncset.done $0x0  }
0x9f: {  	[sflag:s21] =	ssyncadd.s32 s4;
	_ =	sdelay $0x1  }
0xa0: {  	s22 =	simm.s32 $0x1B8B  }
0xa1: {  	_ =	swait.ge [sflag:s22], $0x1  }
0xa2: {  	[sflag:s22] =	ssyncset.done $0x0  }
0xa3: {  	s23 =	simm.s32 $0x1B8E;
	[sflag:s22] =	ssyncadd.s32 $0xFFFFFFFF  }
0xa4: {  	s24 =	simm.s32 $execute0_lowered;
	[smem:$0x3FD2] =	sst s23  }
0xa5: {  	s4 =	sshll.u32 s24, $0x1;
	_ =	strace $0x80000046;
	[dreg:$0x1] =	wrdreg $0xFFFFFFFF  }
0xa6: {  	s25 =	simm.s32 $_size_execute0_lowered;
	s3 =	sadd.s32 s3, s4;
	[dreg:$0x0] =	wrdreg $0x0  }
0xa7: {  	s4 =	sshll.u32 s25, $0x1;
	[dreg:$0x2] =	wrdreg s3  }
0xa8: {  	[dreg:$0x3] =	wrdreg s4  }
0xa9: {  	[dreg:$0x4] =	wrdreg $0xC0  }
0xaa: {  	_ =	task [dreg:s7], $0x5FFFF  }
0xab: {  	[dreg:$0x1] =	wrdreg $0xFFFFFFFF  }
0xac: {  	[dreg:$0x0] =	wrdreg $0x60  }
0xad: {  	[dreg:$0x2] =	wrdreg s0  }
0xae: {  	[dreg:$0x3] =	wrdreg s17  }
0xaf: {  	[dreg:$0x4] =	wrdreg s2  }
0xb0: {  	[dreg:$0x5] =	wrdreg $0x50800  }
0xb1: {  	[dreg:$0x6] =	wrdreg $0x9  }
0xb2: {  	_ =	task.clear_ibuf [dreg:s7], $0x7FFFF;
	_ =	strace $0x90000046  }
0xb3: {  	s26 =	simm.s32 $0x9;
	_ =	strace $0x80000048  }
0xb4: {  	_ =	swait.ge [sflag:s26], $0x1  }
0xb5: {  	[sflag:s26] =	ssyncadd.s32 $0xFFFFFFFF  }
0xb6: {  	_ =	strace $0x90000048  }
0xb7: {  	_ =	sfence  }
0xb8: {  	s28 =	sld [smem:$0x0];
	_ =	sdelay $0x1  }
0xb9: {  	s29 =	srdreg.scid  }
0xba: {  	s30 =	sshll.u32 s29, $0xD;
	s31 =	sshrl.u32 s29, $0x2  }
0xbb: {  	s1 =	sand.u32 $0x1, s29;
	s2 =	sand.u32 $0x4000, s30;
	s0 =	sadd.s32 s31, s28  }
0xbc: {  	s1 =	sor.u32 s2, s1;
	s0 =	sshll.u32 s0, $0x11  }
0xbd: {  	s0 =	sor.u32 s0, s1  }
0xbe: {  	s0 =	sadd.s32 $0x8F2B, s0  }
0xbf: {  	[sflag:s0] =	ssyncadd.remote.s32 $0x1  }
0xc0: {  	_ =	sfence.sel $0xFFFF  }
0xc1: {  	[dreg:$0x0] =	wrdreg $0xFFFFFFFF;
	(pc) =	sbr.abs _section_cstart, $3  }
0xc2: {  	[dreg:$0x1] =	wrdreg $0xFFFFFFFF  }
0xc3: {  	_ =	task.clear_ibuf [dreg:s7], $0x2FFFF;
	_ =	strace $0x9FFFFFFF  }
0xc4: {  	(tm) =	ssettm $0x7FFFFFFF  }
0xc5: {  	_ =	shalt  }
tec
execute0_lowered:
.L_overlay_start_1:
0x0: {  	(tag) =	ssettag $0x1  }
0x1: {  	s8 =	rddreg [dreg:$0x0]  }
0x2: {  	s5 =	rddreg [dreg:$0x1]  }
0x3: {  	s1 =	rddreg [dreg:$0x2]  }
0x4: {  	s2 =	rddreg [dreg:$0x3];
	s3 =	stileid.u32  }
0x5: {  	s6 =	simm.s32 $0x0;
	s4 =	sshll.u32 s3, $0x6;
	s7 =	sshll.u32 s3, $0xB  }
0x6: {  	[smem:$0x7FF] =	sst s6;
	s7 =	sor.u32 s4, s7  }
0x7: {  	s0 =	rddreg [dreg:$0x4];
	_ =	strace $0x80000047;
	s7 =	sand.u32 $0x7040, s7  }
0x8: {  	[tilespmem:s6], [sflag:$0x1] =	stream.linear.gather [hbm4b:s8+s6], $0x1000, $0x38;
	[tilespmem:$0x5210] =	vst v63  }
0x9: {  	s9 =	simm.s32 $0x1000;
	s8 =	sadd.s32 s5, s7  }
0xa: {  	s10 =	simm.s32 $0x80;
	s11 =	simm.s32 $0x1200;
	s12 =	sadd.s32 $0x0, s8  }
.LBB2_1:
0xb: {  	[tilespmem:s9], [sflag:$0x2] =	stream.linear.gather [hbm4b:s12+s6], $0x100, $0x38;
	[tilespmem:$0x5210] =	vst v63  }
0xc: {  	s12 =	smov.u32 s10;
	s9 =	smov.u32 s11;
	p0 =	sne.s32 s10, $0xF80  }
.Ltmp0:
0xd: {  	s10 =	sadd.s32 $0x80, s10;
	(pc) =	sbr.rel @p0 .LBB2_1-.Ltmp0, $2  }
0xe: {  	_ =	sdelay $0x2  }
0xf: {  	s11 =	sadd.s32 $0x200, s11;
	s12 =	sadd.s32 s12, s8  }
0x10: {  	[tilespmem:s9], [sflag:$0x2] =	stream.linear.gather [hbm4b:s12+s6], $0x100, $0x38;
	[tilespmem:$0x5210] =	vst v63  }
0x11: {  	s5 =	sadd.s32 s7, s5  }
0x12: {  	s7 =	simm.s32 $0x1100;
	s8 =	simm.s32 $0x80;
	s6 =	sadd.s32 $0x20, s5  }
0x13: {  	s9 =	simm.s32 $0x1300;
	s5 =	simm.s32 $0x0;
	s10 =	sadd.s32 $0x0, s6  }
.LBB2_3:
0x14: {  	[tilespmem:s7], [sflag:$0x3] =	stream.linear.gather [hbm4b:s10+s5], $0x100, $0x38;
	[tilespmem:$0x5210] =	vst v63  }
0x15: {  	s10 =	smov.u32 s8;
	s7 =	smov.u32 s9;
	p0 =	sne.s32 s8, $0xF80  }
.Ltmp1:
0x16: {  	s8 =	sadd.s32 $0x80, s8;
	(pc) =	sbr.rel @p0 .LBB2_3-.Ltmp1, $2  }
0x17: {  	_ =	sdelay $0x2  }
0x18: {  	s9 =	sadd.s32 $0x200, s9;
	s10 =	sadd.s32 s10, s6  }
0x19: {  	[tilespmem:s7], [sflag:$0x3] =	stream.linear.gather [hbm4b:s10+s5], $0x100, $0x38;
	[tilespmem:$0x5210] =	vst v63  }
0x1a: {  	s25 =	simm.s32 $0x1  }
0x1b: {  	_ =	swait.ge [sflag:s25], $0x1000  }
0x1c: {  	[sflag:s25] =	ssyncset.done $0x0  }
0x1d: {  	s6 =	simm.s32 $0x2;
	s5 =	simm.s32 $0x0;
	[sflag:s25] =	ssyncadd.s32 $0xFFFFF000  }
0x1e: {  	s26 =	sand.u32 $0x40, s5;
	s8 =	sand.u32 $0xF80, s5;
	_ =	swait.ge [sflag:s6], $0x2000  }
0x1f: {  	s9 =	sand.u32 $0x3E00, s5;
	s28 =	sor.u32 $0x30, s26;
	[sflag:s6] =	ssyncset.done $0x0  }
0x20: {  	s9 =	sadd.s32 $0x1000, s9;
	s29 =	sor.u32 s28, s8;
	[sflag:s6] =	ssyncadd.s32 $0xFFFFE000  }
0x21: {  	s6 =	sor.u32 s28, s9;
	v3 =	vld [tilespmem:s29+$0x0]  }
0x22: {  	s30 =	sor.u32 s26, s9;
	v0 =	vld [tilespmem:s6+$0x80]  }
0x23: {  	s11 =	sor.u32 $0x10, s26;
	v7 =	vld [tilespmem:s30+$0x0]  }
0x24: {  	s12 =	sor.u32 s11, s8;
	v11 =	vld [tilespmem:s30+$0x80]  }
0x25: {  	s31 =	sor.u32 s11, s9;
	v2 =	vld [tilespmem:s12+$0x0]  }
0x26: {  	s7 =	sor.u32 $0x20, s26;
	v15 =	vld [tilespmem:s31+$0x0]  }
0x27: {  	v1 =	vimm.f32 $0.0e+00;
	v12 =	vimm.f32 $0.0e+00;
	s8 =	sor.u32 s7, s8;
	v6 =	vld [tilespmem:s31+$0x80];
	v0 =	vmul.f32 v0, v3  }
0x28: {  	v4 =	vimm.f32 $0.0e+00;
	v5 =	vimm.f32 $0.0e+00;
	v10 =	vimm.f32 $0.0e+00;
	s10 =	sor.u32 s7, s9;
	v13 =	vld [tilespmem:s8+$0x0]  }
0x29: {  	v8 =	vimm.f32 $0.0e+00;
	v9 =	vimm.f32 $0.0e+00;
	s7 =	simm.s32 $0x0;
	s9 =	simm.s32 $0x0;
	v14 =	vld [tilespmem:s10+$0x0];
	s8 =	simm.s32 $0x40;
	v0 =	vadd.f32 v0, v1  }
.LBB2_5:
0x2a: {  	s11 =	sand.u32 $0x40, s8;
	s12 =	sand.u32 $0xF80, s8;
	v16 =	vld [tilespmem:s10+$0x80];
	s5 =	sadd.s32 $0x100, s5  }
0x2b: {  	s7 =	sadd.s32 $0x4, s7;
	s10 =	sand.u32 $0x3E00, s5;
	s13 =	sor.u32 $0x30, s11;
	v15 =	vmul.f32 v15, v2;
	v17 =	vld [tilespmem:s6+$0x0]  }
0x2c: {  	p0 =	slt.u32 s7, $0xFC;
	s10 =	sadd.s32 $0x1000, s10;
	s6 =	sor.u32 s13, s12;
	v18 =	vld [tilespmem:s9+$0x0];
	v2 =	vmul.f32 v6, v2  }
0x2d: {  	s14 =	sor.u32 $0x20, s11;
	s9 =	sor.u32 $0x10, s11;
	v6 =	vld [tilespmem:s6+$0x0];
	s6 =	sor.u32 s13, s10;
	v1 =	vadd.f32 v15, v1  }
0x2e: {  	s11 =	sor.u32 s11, s10;
	s13 =	sor.u32 s9, s12;
	s15 =	sor.u32 s9, s10;
	v19 =	vld [tilespmem:s6+$0x80];
	v12 =	vadd.f32 v2, v12;
	v2 =	vmul.f32 v14, v13  }
0x2f: {  	s9 =	sshra.s32 s5, $0x2;
	s12 =	sor.u32 s14, s12;
	s10 =	sor.u32 s14, s10;
	v14 =	vld [tilespmem:s11+$0x0];
	v13 =	vmul.f32 v16, v13  }
0x30: {  	v16 =	vld [tilespmem:s11+$0x80];
	v4 =	vadd.f32 v2, v4;
	v17 =	vmul.f32 v17, v3  }
.Ltmp2:
0x31: {  	v2 =	vld [tilespmem:s13+$0x0];
	v20 =	vmul.f32 v7, v18;
	v11 =	vmul.f32 v11, v18;
	v5 =	vadd.f32 v13, v5;
	(pc) =	sbr.rel @p0 .LBB2_5-.Ltmp2, $4  }
0x32: {  	v15 =	vld [tilespmem:s15+$0x0];
	v10 =	vadd.f32 v17, v10;
	v3 =	vmov v6  }
0x33: {  	v6 =	vld [tilespmem:s15+$0x80];
	v17 =	vmul.f32 v19, v3;
	v8 =	vadd.f32 v20, v8;
	v9 =	vadd.f32 v11, v9  }
0x34: {  	v13 =	vld [tilespmem:s12+$0x0];
	v7 =	vmov v14  }
0x35: {  	s8 =	sadd.s32 $0x40, s8;
	v14 =	vld [tilespmem:s10+$0x0];
	v0 =	vadd.f32 v17, v0;
	v11 =	vmov v16  }
0x36: {  	v16 =	vld [tilespmem:s10+$0x80]  }
0x37: {  	v17 =	vld [tilespmem:s6+$0x0];
	p0 =	por $0x0, $0x0;
	s5 =	simm.s32 $0x1;
	s23 =	simm.s32 $0x3  }
0x38: {  	v19 =	vld [tilespmem:s9+$0x0];
	s5 =	simm.s32 @!p0 $0x0;
	_ =	swait.ge [sflag:s23], $0x2000  }
0x39: {  	s7 =	sshll.u32 s5, $0x6;
	[sflag:s23] =	ssyncset.done $0x0;
	s5 =	simm.s32 $0x0  }
0x3a: {  	v15 =	vmul.f32 v15, v2;
	v18 =	vmul.f32 v6, v2;
	[sflag:s23] =	ssyncadd.s32 $0xFFFFE000;
	s6 =	sand.u32 $0xFC0, s5  }
0x3b: {  	s8 =	sadd.s32 $0x0, s7;
	v6 =	vld [tilespmem:s6+$0x30]  }
0x3c: {  	v2 =	vadd.f32 v15, v1;
	s7 =	sadd.s32 $0x30, s8;
	v1 =	vadd.f32 v18, v12;
	v18 =	vld [tilespmem:s5+$0x0];
	s31 =	sor.u32 $0x100, s8  }
0x3d: {  	v21 =	vimm.f32 $0.0e+00;
	s25 =	sadd.s32 $0x10, s8;
	s24 =	sor.u32 $0x180, s7;
	v23 =	vld [tilespmem:s31+$0x1000]  }
0x3e: {  	v20 =	vimm.f32 $0.0e+00;
	v14 =	vmul.f32 v14, v13;
	v12 =	vmul.f32 v16, v13;
	s26 =	sor.u32 $0x100, s25;
	v15 =	vld [tilespmem:s24+$0x1000]  }
0x3f: {  	v13 =	vmul.f32 v17, v3;
	v16 =	vmul.f32 v11, v19;
	s30 =	sor.u32 $0x100, s7;
	v17 =	vimm.f32 $0.0e+00;
	v11 =	vld [tilespmem:s26+$0x1000]  }
0x40: {  	s11 =	sadd.s32 $0x20, s8;
	s10 =	sor.u32 $0x180, s25;
	v4 =	vadd.f32 v14, v4;
	v14 =	vmul.f32 v7, v19;
	v22 =	vld [tilespmem:s30+$0x1000];
	v3 =	vadd.f32 v12, v5  }
0x41: {  	s28 =	sor.u32 $0x100, s11;
	v19 =	vimm.f32 $0.0e+00;
	v7 =	vadd.f32 v13, v10;
	v10 =	vld [tilespmem:s10+$0x1000];
	v5 =	vadd.f32 v16, v9  }
0x42: {  	s9 =	simm.s32 $0x0;
	p0 =	por !p0, !p0;
	s29 =	sor.u32 $0x180, s11;
	v12 =	vld [tilespmem:s28+$0x1000];
	v13 =	vimm.f32 $0.0e+00;
	v16 =	vimm.f32 $0.0e+00;
	v9 =	vimm.f32 $0.0e+00  }
0x43: {  	s7 =	simm.s32 $0x0;
	s10 =	sor.u32 $0x180, s8;
	s8 =	simm.s32 $0x0;
	v8 =	vadd.f32 v14, v8;
	v14 =	vld [tilespmem:s29+$0x1000];
	v24 =	vmul.f32 v15, v6;
	v15 =	vimm.f32 $0.0e+00  }
.LBB2_7:
0x44: {  	s11 =	simm.s32 $0x1  }
0x45: {  	s7 =	sadd.s32 $0x4, s7;
	v25 =	vld [tilespmem:s10+$0x1000];
	v13 =	vadd.f32 v24, v13;
	s11 =	simm.s32 @!p0 $0x0  }
0x46: {  	s5 =	sadd.s32 $0x100, s5;
	p1 =	slt.u32 s7, $0xFC;
	s10 =	sshll.u32 s11, $0x6;
	v24 =	vld [tilespmem:s6+$0x10]  }
0x47: {  	s8 =	sadd.s32 $0x40, s8;
	s9 =	sadd.s32 $0x40, s9;
	s10 =	sadd.s32 s10, s5;
	v26 =	vld [tilespmem:s6+$0x20]  }
0x48: {  	s6 =	sand.u32 $0xFC0, s8;
	v22 =	vmul.f32 v22, v6;
	v27 =	vld [tilespmem:s9+$0x0];
	s11 =	sadd.s32 $0x10, s10;
	s12 =	sadd.s32 $0x30, s10  }
0x49: {  	s14 =	sadd.s32 $0x20, s10;
	v23 =	vmul.f32 v23, v18;
	s13 =	sor.u32 $0x100, s11;
	v6 =	vld [tilespmem:s6+$0x30];
	s15 =	sor.u32 $0x180, s12  }
0x4a: {  	s11 =	sor.u32 $0x180, s11;
	s16 =	sor.u32 $0x100, s14;
	s14 =	sor.u32 $0x180, s14;
	v29 =	vmul.f32 v25, v18;
	v16 =	vadd.f32 v22, v16;
	v28 =	vld [tilespmem:s15+$0x1000]  }
0x4b: {  	s12 =	sor.u32 $0x100, s12;
	s15 =	sor.u32 $0x100, s10;
	s10 =	sor.u32 $0x180, s10;
	v21 =	vadd.f32 v23, v21;
	v22 =	vmul.f32 v11, v24;
	v11 =	vld [tilespmem:s13+$0x1000];
	v23 =	vmul.f32 v10, v24  }
.Ltmp3:
0x4c: {  	v20 =	vadd.f32 v29, v20;
	v10 =	vld [tilespmem:s11+$0x1000];
	v24 =	vmul.f32 v12, v26;
	v25 =	vmul.f32 v14, v26;
	(pc) =	sbr.rel @p1 .LBB2_7-.Ltmp3, $4  }
0x4d: {  	v12 =	vld [tilespmem:s16+$0x1000];
	v17 =	vadd.f32 v22, v17;
	v19 =	vadd.f32 v23, v19;
	v18 =	vmov v27  }
0x4e: {  	v14 =	vld [tilespmem:s14+$0x1000];
	v15 =	vadd.f32 v24, v15;
	v9 =	vadd.f32 v25, v9  }
0x4f: {  	v22 =	vld [tilespmem:s12+$0x1000];
	v24 =	vmul.f32 v28, v6  }
0x50: {  	p0 =	por !p0, !p0;
	v23 =	vld [tilespmem:s15+$0x1000]  }
0x51: {  	v13 =	vadd.f32 v24, v13  }
0x52: {  	v2 =	vadd.f32 v2, v8;
	v4 =	vadd.f32 v7, v4  }
0x53: {  	v25 =	vld [tilespmem:s10+$0x1000];
	v41 =	vimm.s32 $0xFEDCBA98;
	v43 =	vimm.s32 $0x76543210;
	v1 =	vadd.f32 v1, v5  }
0x54: {  	v26 =	vld [tilespmem:s6+$0x10];
	v3 =	vadd.f32 v0, v3;
	v5 =	vimm.s32 $0xBA98FEDC;
	v44 =	vimm.s32 $0x32107654  }
0x55: {  	v27 =	vld [tilespmem:s6+$0x20];
	v46 =	vimm.s32 $0xDCFE98BA;
	v47 =	vimm.s32 $0x54761032;
	v7 =	vunpack.c.l.s4.s8 v41  }
0x56: {  	v5 =	vunpack.c.l.s4.s8 v5;
	v2 =	vadd.f32 v4, v2;
	v4 =	vunpack.c.l.s4.s8 v43  }
0x57: {  	v3 =	vadd.f32 v3, v1;
	v6 =	vmul.f32 v22, v6;
	v0 =	vunpack.c.0.s8.s32 v7  }
0x58: {  	v7 =	vunpack.c.l.s4.s8 v44;
	v5 =	vunpack.c.0.s8.s32 v5;
	v38 =	vmul.f32 v23, v18  }
0x59: {  	v4 =	vunpack.c.0.s8.s32 v4;
	v39 =	vmul.f32 v25, v18;
	v11 =	vmul.f32 v11, v26  }
0x5a: {  	v6 =	vadd.f32 v6, v16;
	v10 =	vmul.f32 v10, v26;
	v12 =	vmul.f32 v12, v27  }
0x5b: {  	v14 =	vmul.f32 v14, v27;
	v0 =	vand.u32 $0xF, v0;
	v40 =	vadd.f32 v38, v21  }
0x5c: {  	v0 =	vcombine.low v0, v4;
	v18 =	vadd.f32 v39, v20;
	v11 =	vadd.f32 v11, v17  }
0x5d: {  	v7 =	vunpack.c.0.s8.s32 v7;
	v42 =	vadd.f32 v10, v19;
	v12 =	vadd.f32 v12, v15  }
0x5e: {  	v4 =	vadd.f32 v14, v9;
	v1 =	vperm.xlane v2, v0;
	v45 =	vadd.f32 v11, v40  }
0x5f: {  	v5 =	vcombine.low v7, v5;
	v6 =	vadd.f32 v6, v12;
	v8 =	vadd.f32 v42, v18  }
0x60: {  	v48 =	vunpack.c.l.s4.s8 v47;
	v4 =	vadd.f32 v13, v4;
	v2 =	vadd.f32 v1, v2  }
0x61: {  	v50 =	vperm.xlane v3, v0;
	v1 =	vand.u32 $0xF, v5;
	v6 =	vadd.f32 v6, v45  }
0x62: {  	v5 =	vunpack.c.l.s4.s8 v46;
	v4 =	vadd.f32 v4, v8;
	v49 =	vperm.xlane v2, v1  }
0x63: {  	v7 =	vunpack.c.0.s8.s32 v48;
	v3 =	vadd.f32 v50, v3;
	v10 =	vperm.xlane v6, v0  }
0x64: {  	v5 =	vunpack.c.0.s8.s32 v5;
	v8 =	vadd.f32 v49, v2;
	v2 =	vperm.xlane v4, v0  }
0x65: {  	v51 =	vimm.s32 $0xEFCDAB89;
	v52 =	vimm.s32 $0x67452301;
	v6 =	vadd.f32 v10, v6  }
0x66: {  	v53 =	vperm.xlane v3, v1;
	v5 =	vcombine.low v7, v5;
	v4 =	vadd.f32 v2, v4  }
0x67: {  	v9 =	vunpack.c.l.s4.s8 v52;
	v7 =	vunpack.c.l.s4.s8 v51;
	v54 =	vperm.xlane v6, v1  }
0x68: {  	v3 =	vadd.f32 v53, v3;
	v2 =	vand.u32 $0xF, v5;
	v5 =	vperm.xlane v4, v1  }
0x69: {  	v9 =	vunpack.c.0.s8.s32 v9;
	v7 =	vunpack.c.0.s8.s32 v7;
	v6 =	vadd.f32 v54, v6  }
0x6a: {  	v55 =	vperm.xlane v8, v2;
	v56 =	vperm.xlane v3, v2;
	v4 =	vadd.f32 v5, v4  }
0x6b: {  	v5 =	vcombine.low v9, v7;
	v57 =	vperm.xlane v6, v2  }
0x6c: {  	v8 =	vadd.f32 v55, v8;
	v58 =	vadd.f32 v56, v3;
	v59 =	vperm.xlane v4, v2  }
0x6d: {  	v3 =	vand.u32 $0xF, v5;
	v5 =	vadd.f32 v57, v6  }
0x6e: {  	v60 =	vperm.xlane v8, v3;
	v61 =	vperm.xlane v58, v3;
	v4 =	vadd.f32 v59, v4  }
0x6f: {  	v62 =	vperm.xlane v5, v3  }
0x70: {  	v6 =	vadd.f32 v60, v8;
	v7 =	vadd.f32 v61, v58;
	v63 =	vperm.xlane v4, v3  }
0x71: {  	vm0 =	vmmov $0x1;
	v5 =	vadd.f32 v62, v5  }
0x72: {  	vm13 =	vmmov $0x3;
	v6 =	vsel vm0, v6, v7;
	v4 =	vadd.f32 v63, v4  }
0x73: {  	vm14 =	vmmov $0x7;
	v5 =	vsel vm13, v6, v5  }
0x74: {  	vm15 =	vmmov $0xf;
	v4 =	vsel vm14, v5, v4  }
0x75: {  	s4 =	sshrl.u32 s4, $0x2;
	v4 =	vnsel vm15, $0xFF61B1E6, v4  }
0x76: {  	s5 =	simm.s32 $0x5000;
	s4 =	sadd.s32 s4, s2;
	[tilespmem:$0x5000] =	vst v4  }
0x77: {  	[spmem:s4] =	stream.linear.scatter [tilespmem:s5], [sflag:$0x4], $0x10, $0x38;
	[tilespmem:$0x5210] =	vst v63  }
0x78: {  	s4 =	simm.s32 $0x4  }
0x79: {  	_ =	swait.ge [sflag:s4], $0x10  }
0x7a: {  	[sflag:s4] =	ssyncset.done $0x0  }
0x7b: {  	[sflag:s4] =	ssyncadd.s32 $0xFFFFFFF0  }
0x7c: {  	p0 =	sne.s32 s3, $0x0;
	[bflag:$0x0] =	sbarrier.arrive $0xFFFF  }
0x7d: {  	_ =	sfence.sel @p0 $0x180000  }
0x7e: {  	[bflag:$0x0] =	sbarrier.arrive @p0 $0xFFFF  }
0x7f: {  	_ =	strace @p0 $0x90000047  }
0x80: {  	[bflag:$0x2] =	sbarrier.arrive @p0 $0xFFFF  }
0x81: {  	_ =	shalt @p0  }
.LBB2_9:
0x82: {  	s3 =	simm.s32 $0x5090  }
0x83: {  	[tilespmem:s3], [sflag:$0x4] =	stream.linear.gather [spmem:s2], $0x100, $0x38;
	[tilespmem:$0x5210] =	vst v63  }
0x84: {  	_ =	swait.ge [sflag:s4], $0x100  }
0x85: {  	[sflag:s4] =	ssyncset.done $0x0  }
0x86: {  	[sflag:s4] =	ssyncadd.s32 $0xFFFFFF00  }
0x87: {  	v4 =	vld [tilespmem:$0x5090]  }
0x88: {  	v5 =	vld [tilespmem:$0x50A0]  }
0x89: {  	v6 =	vld [tilespmem:$0x50B0]  }
0x8a: {  	v7 =	vld [tilespmem:$0x50C0]  }
0x8b: {  	v8 =	vld [tilespmem:$0x50D0]  }
0x8c: {  	v9 =	vld [tilespmem:$0x50E0]  }
0x8d: {  	v10 =	vld [tilespmem:$0x50F0];
	v11 =	vmax.f32 v4, v5  }
0x8e: {  	v12 =	vld [tilespmem:$0x5100];
	v11 =	vmax.f32 v11, v6  }
0x8f: {  	v13 =	vld [tilespmem:$0x5110];
	v11 =	vmax.f32 v11, v7  }
0x90: {  	v14 =	vld [tilespmem:$0x5120];
	v11 =	vmax.f32 v11, v8  }
0x91: {  	v15 =	vld [tilespmem:$0x5130];
	v11 =	vmax.f32 v11, v9  }
0x92: {  	v16 =	vld [tilespmem:$0x5140];
	v11 =	vmax.f32 v11, v10  }
0x93: {  	v17 =	vld [tilespmem:$0x5150];
	v11 =	vmax.f32 v11, v12  }
0x94: {  	v18 =	vld [tilespmem:$0x5160];
	v11 =	vmax.f32 v11, v13  }
0x95: {  	v19 =	vld [tilespmem:$0x5170];
	v11 =	vmax.f32 v11, v14  }
0x96: {  	v20 =	vld [tilespmem:$0x5180];
	v11 =	vmax.f32 v11, v15  }
0x97: {  	v11 =	vmax.f32 v11, v16  }
0x98: {  	v11 =	vmax.f32 v11, v17  }
0x99: {  	v11 =	vmax.f32 v11, v18  }
0x9a: {  	v11 =	vmax.f32 v11, v19  }
0x9b: {  	v11 =	vmax.f32 v11, v20  }
0x9c: {  	v21 =	vperm.xlane v11, v0;
	_ =	sdelay $0x1  }
0x9d: {  	v11 =	vmax.f32 v11, v21  }
0x9e: {  	v21 =	vperm.xlane v11, v1;
	_ =	sdelay $0x1  }
0x9f: {  	v11 =	vmax.f32 v11, v21  }
0xa0: {  	v21 =	vperm.xlane v11, v2;
	_ =	sdelay $0x1  }
0xa1: {  	v11 =	vmax.f32 v11, v21  }
0xa2: {  	v21 =	vperm.xlane v11, v3;
	_ =	sdelay $0x1  }
0xa3: {  	v32 =	vlaneseq.u32;
	v11 =	vmax.f32 v11, v21  }
0xa4: {  	v33 =	vadd.s32 $0x3C, v32;
	vm0 =	veq.f32 v20, v11  }
0xa5: {  	v35 =	vadd.s32 $0x38, v32;
	vm1 =	veq.f32 v19, v11;
	v34 =	vnsel vm0, $0x40000000, v33  }
0xa6: {  	v36 =	vadd.s32 $0x34, v32;
	vm13 =	veq.f32 v18, v11;
	v19 =	vsel vm1, v35, v34  }
0xa7: {  	v38 =	vor.u32 $0x30, v32;
	vm14 =	veq.f32 v17, v11;
	v37 =	vsel vm13, v36, v19  }
0xa8: {  	v40 =	vadd.s32 $0x2C, v32;
	vm15 =	veq.f32 v16, v11;
	v39 =	vsel vm14, v38, v37  }
0xa9: {  	v42 =	vadd.s32 $0x28, v32;
	vm4 =	veq.f32 v15, v11;
	v41 =	vsel vm15, v40, v39  }
0xaa: {  	v44 =	vadd.s32 $0x24, v32;
	vm5 =	veq.f32 v14, v11;
	v43 =	vsel vm4, v42, v41  }
0xab: {  	v46 =	vor.u32 $0x20, v32;
	vm6 =	veq.f32 v13, v11;
	v45 =	vsel vm5, v44, v43  }
0xac: {  	v48 =	vadd.s32 $0x1C, v32;
	vm7 =	veq.f32 v12, v11;
	v47 =	vsel vm6, v46, v45  }
0xad: {  	v50 =	vadd.s32 $0x18, v32;
	vm8 =	veq.f32 v10, v11;
	v49 =	vsel vm7, v48, v47  }
0xae: {  	v52 =	vadd.s32 $0x14, v32;
	vm9 =	veq.f32 v9, v11;
	v51 =	vsel vm8, v50, v49  }
0xaf: {  	v54 =	vor.u32 $0x10, v32;
	vm10 =	veq.f32 v8, v11;
	v53 =	vsel vm9, v52, v51  }
0xb0: {  	v56 =	vadd.s32 $0xC, v32;
	vm11 =	veq.f32 v7, v11;
	v55 =	vsel vm10, v54, v53  }
0xb1: {  	v58 =	vadd.s32 $0x8, v32;
	vm12 =	veq.f32 v6, v11;
	v57 =	vsel vm11, v56, v55  }
0xb2: {  	v60 =	vadd.s32 $0x4, v32;
	vm13 =	veq.f32 v5, v11;
	v59 =	vsel vm12, v58, v57  }
0xb3: {  	vm14 =	veq.f32 v4, v11;
	v61 =	vsel vm13, v60, v59  }
0xb4: {  	v4 =	vsel vm14, v32, v61  }
0xb5: {  	v62 =	vperm.xlane v4, v0;
	_ =	sdelay $0x1  }
0xb6: {  	vm15 =	vlt.s32 v4, v62  }
0xb7: {  	v0 =	vsel vm15, v4, v62  }
0xb8: {  	v63 =	vperm.xlane v0, v1;
	_ =	sdelay $0x1  }
0xb9: {  	vm0 =	vlt.s32 v0, v63  }
0xba: {  	v0 =	vsel vm0, v0, v63  }
0xbb: {  	v1 =	vperm.xlane v0, v2;
	_ =	sdelay $0x1  }
0xbc: {  	vm0 =	vlt.s32 v0, v1  }
0xbd: {  	v0 =	vsel vm0, v0, v1  }
0xbe: {  	v1 =	vperm.xlane v0, v3;
	_ =	sdelay $0x1  }
0xbf: {  	vm0 =	vlt.s32 v0, v1  }
0xc0: {  	v0 =	vsel vm0, v0, v1  }
0xc1: {  	s30 =	simm.s32 $0x0;
	s31 =	simm.s32 $0x5190;
	[tilespmem:$0x5190] =	vst v0  }
0xc2: {  	[hbm4b:s1+s30] =	stream.linear.scatter [tilespmem:s31], [sflag:$0x4], $0x80, $0x38;
	[tilespmem:$0x5210] =	vst v63  }
0xc3: {  	_ =	swait.ge [sflag:s4], $0x80  }
0xc4: {  	[sflag:s4] =	ssyncset.done $0x0  }
0xc5: {  	[sflag:s4] =	ssyncadd.s32 $0xFFFFFF80  }
0xc6: {  	_ =	sfence.sel $0x180000  }
0xc7: {  	[bflag:$0x0] =	sbarrier.arrive $0xFFFF  }
0xc8: {  	_ =	strace $0x90000047  }
0xc9: {  	s0 =	sadd.s32 $0x100000, s0;
	[bflag:$0x2] =	sbarrier.arrive $0xFFFF  }
0xca: {  	[sflag:s0] =	ssyncadd.tile.s32 $0x1;
	_ =	shalt  }
.Lfunc_end2:
_tile_overlayer_lowered:
.L_overlay_start_2:
0xcb: {  	(tag) =	ssettag $0x2  }
0xcc: {  	s0 =	rddreg [dreg:$0x0];
	s2 =	stileid.u32  }
0xcd: {  	s1 =	rddreg [dreg:$0x1];
	p0 =	sne.s32 s2, $0x0  }
0xce: {  	s3 =	rddreg [dreg:$0x2];
	[bflag:$0x3] =	sbarrier.arrive $0xFFFF;
	s2 =	simm.s32 @!p0 $0x1C04  }
0xcf: {  	[timem:s3], [sflag:s2] =	dma.local @!p0 [hbm:s0], s1  }
0xd0: {  	s0 =	simm.s32 @!p0 $0x4  }
0xd1: {  	_ =	swait.ge @!p0 [sflag:s0], s1  }
0xd2: {  	s1 =	ssub.s32 @!p0 $0x0, s1;
	[sflag:s0] =	ssyncset.done @!p0 $0x0  }
0xd3: {  	[sflag:s0] =	ssyncadd.s32 @!p0 s1  }
0xd4: {  	[bflag:$0x3] =	sbarrier.arrive $0xFFFF  }
0xd5: {  	_ =	shalt  }

</sc_bundles>
